<compile_context>
chip_gen: v7x
topology: tpu7x:2x2x1
jax: 0.10.2.dev20260603
libtpu: 0.0.44.dev20260713+nightly
codegen_flags: <defaults>
</compile_context>

<pallas_src>
import functools

import jax
import jax.numpy as jnp
from jax import lax
from jax.experimental import pallas as pl
from jax.experimental.pallas import tpu as pltpu
from jax.experimental.pallas import tpu_sc as plsc

T = 4096
D = 1024
F = 4096
E = 8
CAP = 640
ZROW = E * CAP
TRASH = ZROW + 1
NROW = TRASH + 1
GW = 128
CHUNK = 512
NCHUNK = T // CHUNK
FFT = 1024
KT = F // FFT
NW = 32
TPW = T // NW
SUB = 64
NSUB = TPW // SUB


def _route(x_flat, Wg, bg2):

    def body(x_ref, wg_ref, bg_ref, dst_ref, src_ref, g_ref, aux_ref,
             cnt_ref, carry_ref, imp_ref):
        c = pl.program_id(0)

        @pl.when(c == 0)
        def _():
            carry_ref[...] = jnp.zeros_like(carry_ref)
            imp_ref[...] = jnp.zeros_like(imp_ref)

        x = x_ref[...].astype(jnp.bfloat16)
        logits = lax.dot_general(
            x, wg_ref[...].astype(jnp.bfloat16), (((1,), (1,)), ((), ())),
            preferred_element_type=jnp.float32) + bg_ref[...]
        m = jnp.max(logits, axis=1, keepdims=True)
        ex = jnp.exp(logits - m)
        p = ex / jnp.sum(ex, axis=1, keepdims=True)

        raw = (logits == m).astype(jnp.float32)
        m8 = (lax.broadcasted_iota(jnp.int32, (E, E), 0)
              <= lax.broadcasted_iota(jnp.int32, (E, E), 1)).astype(jnp.float32)
        cum8 = lax.dot_general(raw.astype(jnp.bfloat16),
                               m8.astype(jnp.bfloat16),
                               (((1,), (0,)), ((), ())),
                               preferred_element_type=jnp.float32)
        onehot = jnp.where((cum8 == 1.0) & (raw == 1.0), 1.0, 0.0)

        tril = (lax.broadcasted_iota(jnp.int32, (CHUNK, CHUNK), 1)
                <= lax.broadcasted_iota(jnp.int32, (CHUNK, CHUNK), 0)
                ).astype(jnp.float32)
        within = lax.dot_general(tril.astype(jnp.bfloat16),
                                 onehot.astype(jnp.bfloat16),
                                 (((1,), (0,)), ((), ())),
                                 preferred_element_type=jnp.float32)
        tot = within + carry_ref[...]

        iota8 = lax.broadcasted_iota(jnp.int32, (1, E), 1).astype(jnp.float32)
        top_idx = jnp.sum(onehot * iota8, axis=1, keepdims=True)
        top_gate = jnp.sum(p * onehot, axis=1, keepdims=True)
        pos = jnp.sum(tot * onehot, axis=1, keepdims=True) - 1.0
        kept = pos < float(CAP)

        dst = jnp.where(kept, top_idx * CAP + pos, float(TRASH))
        src = jnp.where(kept, top_idx * CAP + pos, float(ZROW))
        dst_ref[...] = dst.astype(jnp.int32).reshape(CHUNK // SUB, SUB)
        src_ref[...] = src.astype(jnp.int32).reshape(CHUNK // SUB, SUB)
        g_ref[...] = jnp.broadcast_to(jnp.where(kept, top_gate, 0.0),
                                      (CHUNK, GW))

        carry_ref[...] += jnp.sum(onehot, axis=0, keepdims=True)
        imp_ref[...] += jnp.sum(p, axis=0, keepdims=True)

        @pl.when(c == NCHUNK - 1)
        def _():
            aux_ref[...] = (jnp.sum(imp_ref[...] * carry_ref[...],
                                    axis=1, keepdims=True)
                            * (float(E) / (float(T) * float(T))))
            cnt_ref[...] = jnp.minimum(carry_ref[...],
                                       float(CAP)).astype(jnp.int32)

    return pl.pallas_call(
        body,
        grid=(NCHUNK,),
        in_specs=[
            pl.BlockSpec((CHUNK, D), lambda c: (c, 0)),
            pl.BlockSpec((E, D), lambda c: (0, 0)),
            pl.BlockSpec((1, E), lambda c: (0, 0)),
        ],
        out_specs=[
            pl.BlockSpec((CHUNK // SUB, SUB), lambda c: (c, 0)),
            pl.BlockSpec((CHUNK // SUB, SUB), lambda c: (c, 0)),
            pl.BlockSpec((CHUNK, GW), lambda c: (c, 0)),
            pl.BlockSpec((1, 1), lambda c: (0, 0)),
            pl.BlockSpec((1, E), lambda c: (0, 0)),
        ],
        out_shape=[
            jax.ShapeDtypeStruct((T // SUB, SUB), jnp.int32),
            jax.ShapeDtypeStruct((T // SUB, SUB), jnp.int32),
            jax.ShapeDtypeStruct((T, GW), jnp.float32),
            jax.ShapeDtypeStruct((1, 1), jnp.float32),
            jax.ShapeDtypeStruct((1, E), jnp.int32),
        ],
        scratch_shapes=[
            pltpu.VMEM((1, E), jnp.float32),
            pltpu.VMEM((1, E), jnp.float32),
        ],
        compiler_params=pltpu.CompilerParams(
            dimension_semantics=("arbitrary",)),
    )(x_flat, Wg, bg2)


def _dispatch_sc(x_flat, g16, dst2d):
    mesh = plsc.VectorSubcoreMesh(core_axis_name="c", subcore_axis_name="s")

    @functools.partial(
        pl.kernel,
        out_type=[
            jax.ShapeDtypeStruct((NROW, D), jnp.float32),
            jax.ShapeDtypeStruct((NROW, GW), jnp.float32),
        ],
        mesh=mesh,
        scratch_types=[
            pltpu.VMEM((NSUB, SUB), jnp.int32),
            pltpu.VMEM((SUB, D), jnp.float32),
            pltpu.VMEM((SUB, GW), jnp.float32),
            pltpu.SemaphoreType.DMA,
        ],
    )
    def disp(x_hbm, g_hbm, d_hbm, buf_hbm, gbuf_hbm, idx_v, rows_v, grow_v,
             sem):
        wid = lax.axis_index("s") * 2 + lax.axis_index("c")
        pltpu.async_copy(d_hbm.at[pl.ds(wid * NSUB, NSUB)], idx_v, sem).wait()

        @pl.when(wid == 0)
        def _():
            @pl.loop(0, D, step=16)
            def _(i):
                rows_v.at[0, pl.ds(i, 16)][...] = jnp.zeros((16,), jnp.float32)
            pltpu.async_copy(rows_v.at[pl.ds(0, 1)],
                             buf_hbm.at[pl.ds(ZROW, 1)], sem).wait()

        for j in range(NSUB):
            base = wid * TPW + j * SUB
            pltpu.async_copy(x_hbm.at[pl.ds(base, SUB)], rows_v, sem).wait()
            pltpu.async_copy(rows_v, buf_hbm.at[idx_v.at[j]], sem).wait()
            pltpu.async_copy(g_hbm.at[pl.ds(base, SUB)], grow_v, sem).wait()
            pltpu.async_copy(grow_v, gbuf_hbm.at[idx_v.at[j]], sem).wait()

    return disp(x_flat, g16, dst2d)


def _combine_sc(eo, src2d):
    mesh = plsc.VectorSubcoreMesh(core_axis_name="c", subcore_axis_name="s")

    @functools.partial(
        pl.kernel,
        out_type=jax.ShapeDtypeStruct((T, D), jnp.float32),
        mesh=mesh,
        scratch_types=[
            pltpu.VMEM((NSUB, SUB), jnp.int32),
            pltpu.VMEM((SUB, D), jnp.float32),
            pltpu.SemaphoreType.DMA,
        ],
    )
    def comb(eo_hbm, s_hbm, out_hbm, idx_v, rows_v, sem):
        wid = lax.axis_index("s") * 2 + lax.axis_index("c")
        pltpu.async_copy(s_hbm.at[pl.ds(wid * NSUB, NSUB)], idx_v, sem).wait()
        for j in range(NSUB):
            base = wid * TPW + j * SUB
            pltpu.async_copy(eo_hbm.at[idx_v.at[j]], rows_v, sem).wait()
            pltpu.async_copy(rows_v, out_hbm.at[pl.ds(base, SUB)], sem).wait()

    return comb(eo, src2d)


def _ffn(buf, gbuf, W1, b1_3d, W2, b2_3d):

    def body(x_ref, g_ref, w1_ref, b1_ref, w2_ref, b2_ref, o_ref):
        k = pl.program_id(1)
        x = x_ref[...].astype(jnp.bfloat16)
        w1 = w1_ref[0].astype(jnp.bfloat16)
        h = lax.dot_general(x, w1, (((1,), (1,)), ((), ())),
                            preferred_element_type=jnp.float32)
        h = jnp.maximum(h + b1_ref[0], 0.0).astype(jnp.bfloat16)
        w2 = w2_ref[0].astype(jnp.bfloat16)
        contrib = lax.dot_general(h, w2, (((1,), (1,)), ((), ())),
                                  preferred_element_type=jnp.float32)

        @pl.when(k == 0)
        def _():
            o_ref[...] = contrib

        @pl.when((k > 0) & (k < KT - 1))
        def _():
            o_ref[...] += contrib

        @pl.when(k == KT - 1)
        def _():
            gcol = g_ref[...][:, :1]
            o_ref[...] = (o_ref[...] + contrib + b2_ref[0]) * gcol

    return pl.pallas_call(
        body,
        grid=(E, KT),
        in_specs=[
            pl.BlockSpec((CAP, D), lambda e, k: (e, 0)),
            pl.BlockSpec((CAP, GW), lambda e, k: (e, 0)),
            pl.BlockSpec((1, FFT, D), lambda e, k: (e, k, 0)),
            pl.BlockSpec((1, 1, FFT), lambda e, k: (e, 0, k)),
            pl.BlockSpec((1, D, FFT), lambda e, k: (e, 0, k)),
            pl.BlockSpec((1, 1, D), lambda e, k: (e, 0, 0)),
        ],
        out_specs=pl.BlockSpec((CAP, D), lambda e, k: (e, 0)),
        out_shape=jax.ShapeDtypeStruct((NROW, D), jnp.float32),
        input_output_aliases={0: 0},
        compiler_params=pltpu.CompilerParams(
            dimension_semantics=("arbitrary", "arbitrary")),
    )(buf, gbuf, W1, b1_3d, W2, b2_3d)


def kernel(x, Wg, bg, W1, b1, W2, b2):
    Bb, Ss, Dd = x.shape
    x_flat = x.reshape(T, D)
    bg2 = bg.reshape(1, E)
    dst2d, src2d, g16, aux, _ = _route(x_flat, Wg, bg2)
    buf, gbuf = _dispatch_sc(x_flat, g16, dst2d)
    eo = _ffn(buf, gbuf, W1, b1.reshape(E, 1, F), W2, b2.reshape(E, 1, D))
    out_flat = _combine_sc(eo, src2d)
    return out_flat.reshape(Bb, Ss, Dd), aux[0, 0]

# --- scband reference (transcript-rebuilt; emitter-appended) ---
"""Pipeline reference for scband-switch-feed-forward-4535485464936 (READ-ONLY COPY).

The authoritative reference and input builder live on the scoring server;
editing this copy changes nothing except your own understanding.
"""

import math
import jax, jax.numpy as jnp
import numpy as np

B, S, D_MODEL, D_FF, E = 2, 2048, 1024, 4096, 8
CAPACITY_FACTOR = 1.25


def setup_inputs(seed: int = 0) -> dict:
    key = jax.random.key(seed)
    ks = jax.random.split(key, 8)
    x = jax.random.normal(ks[0], (B, S, D_MODEL), dtype=jnp.float32)
    Wg = jax.random.normal(ks[1], (E, D_MODEL), dtype=jnp.float32) * 0.02
    bg = jnp.zeros((E,), dtype=jnp.float32)
    W1 = jax.random.normal(ks[2], (E, D_FF, D_MODEL), dtype=jnp.float32) * 0.02
    b1 = jnp.zeros((E, D_FF), dtype=jnp.float32)
    W2 = jax.random.normal(ks[3], (E, D_MODEL, D_FF), dtype=jnp.float32) * 0.02
    b2 = jnp.zeros((E, D_MODEL), dtype=jnp.float32)
    return {"x": x, "Wg": Wg, "bg": bg, "W1": W1, "b1": b1, "W2": W2, "b2": b2}


def reference(x, Wg, bg, W1, b1, W2, b2):
    Bb, Ss, D = x.shape
    T = Bb * Ss
    num_experts = Wg.shape[0]
    x_flat = x.reshape(T, D)
    gate_logits = x_flat @ Wg.T + bg
    gate_probs = jax.nn.softmax(gate_logits, axis=-1)
    top_idx = jnp.argmax(gate_probs, axis=-1)
    top_gate = jnp.take_along_axis(gate_probs, top_idx[:, None], axis=1)[:, 0]
    capacity = int(math.ceil(T / num_experts * CAPACITY_FACTOR))
    out_flat = jnp.zeros((T, D), dtype=x.dtype)
    token_counts = []
    for e in range(num_experts):
        mask = (top_idx == e)
        # position within this expert's queue, in token-index order
        # (equivalent to torch nonzero ordering + indices[:capacity])
        pos = jnp.cumsum(mask.astype(jnp.int32)) - 1
        kept = mask & (pos < capacity)
        slot = jnp.where(kept, pos, capacity)  # dropped/overflow tokens -> padding row
        buf = jnp.zeros((capacity + 1, D), dtype=x.dtype).at[slot].add(
            x_flat * kept[:, None].astype(x.dtype))
        h = jax.nn.relu(buf @ W1[e].T + b1[e])  # dropout = identity (eval)
        eo = h @ W2[e].T + b2[e]
        gathered = eo[slot] * kept[:, None].astype(x.dtype) * top_gate[:, None]
        out_flat = out_flat + gathered
        token_counts.append(jnp.sum(mask.astype(jnp.float32)))
    token_counts = jnp.stack(token_counts)
    importance = gate_probs.mean(axis=0)
    load = token_counts / T
    aux_loss = (importance * load).sum() * num_experts
    return out_flat.reshape(Bb, Ss, D), aux_loss

if __name__ == "__main__":
    import jax
    _d = setup_inputs()
    print(jax.jit(kernel)(*tuple(_d.values())))

</pallas_src>

<mosaic_0001>
#map = affine_map<(d0, d1) -> (0, 0)>
module attributes {stable_mosaic.version = 14 : i64} {
  func.func @disp(%arg0: i32, %arg1: i32, %arg2: memref<4096x1024xf32, #tpu.memory_space<hbm>>, %arg3: memref<4096x128xf32, #tpu.memory_space<hbm>>, %arg4: memref<64x64xi32, #tpu.memory_space<hbm>>, %arg5: memref<5122x1024xf32, #tpu.memory_space<hbm>>, %arg6: memref<5122x128xf32, #tpu.memory_space<hbm>>, %arg7: memref<2x64xi32, #tpu.memory_space<vmem>>, %arg8: memref<64x1024xf32, #tpu.memory_space<vmem>>, %arg9: memref<64x128xf32, #tpu.memory_space<vmem>>, %arg10: memref<!tpu.dma_semaphore, #tpu.memory_space<semaphore_mem>>) attributes {dimension_semantics = [#tpu.dimension_semantics<core_parallel>, #tpu.dimension_semantics<subcore_parallel>], iteration_bounds = array<i64: 2, 16>, scalar_prefetch = 0 : i64, scratch_operands = 4 : i64, tpu.core_type = #tpu.core_type<sc_vector_subcore>, window_params = [{transform_indices = #map}, {transform_indices = #map}, {transform_indices = #map}, {transform_indices = #map}, {transform_indices = #map}]} {
    %mul3A = arith.constant 2 : i32
    %mul3A_0 = arith.muli %arg1, %mul3A : i32
    %add3A = arith.addi %mul3A_0, %arg0 : i32
    %mul3A_1 = arith.constant 2 : i32
    %mul3A_2 = arith.muli %add3A, %mul3A_1 : i32
    %dma_start3A = arith.constant 0 : i32
    %dma_start3A_3 = tpu.memref_slice %arg4[%mul3A_2, %dma_start3A] : memref<64x64xi32, #tpu.memory_space<hbm>> -> memref<2x64xi32, #tpu.memory_space<hbm>>
    %dma_start3A_4 = arith.constant 0 : i32
    %dma_start3A_5 = tpu.memref_slice %arg4[%mul3A_2, %dma_start3A_4] : memref<64x64xi32, #tpu.memory_space<hbm>> -> memref<2x64xi32, #tpu.memory_space<hbm>>
    tpu.enqueue_dma source(%dma_start3A_5 : memref<2x64xi32, #tpu.memory_space<hbm>>) target(%arg7 : memref<2x64xi32, #tpu.memory_space<vmem>>) target_semaphore(%arg10 : memref<!tpu.dma_semaphore, #tpu.memory_space<semaphore_mem>>)
    %dma_wait3A = arith.constant 0 : i32
    %dma_wait3A_6 = tpu.memref_slice %arg4[%mul3A_2, %dma_wait3A] : memref<64x64xi32, #tpu.memory_space<hbm>> -> memref<2x64xi32, #tpu.memory_space<hbm>>
    %dma_wait3A_7 = arith.constant 0 : i32
    %dma_wait3A_8 = tpu.memref_slice %arg4[%mul3A_2, %dma_wait3A_7] : memref<64x64xi32, #tpu.memory_space<hbm>> -> memref<2x64xi32, #tpu.memory_space<hbm>>
    tpu.wait_dma2 semaphore(%arg10 : memref<!tpu.dma_semaphore, #tpu.memory_space<semaphore_mem>>) src(%dma_wait3A_8 : memref<2x64xi32, #tpu.memory_space<hbm>>) dst(%arg7 : memref<2x64xi32, #tpu.memory_space<vmem>>)
    %eq3A = arith.constant 0 : i32
    %eq3A_9 = arith.cmpi eq, %add3A, %eq3A : i32
    %convert_element_type3A = arith.extui %eq3A_9 : i1 to i32
    %cond3A = arith.constant 0 : i32
    %cond3A_10 = arith.cmpi ne, %convert_element_type3A, %cond3A : i32
    scf.if %cond3A_10 {
      %scan3A = arith.constant 0 : i32
      %scan3A_107 = arith.constant 64 : i32
      %scan3A_108 = arith.addi %scan3A, %scan3A_107 : i32
      %scan3A_109 = arith.constant 1 : i32
      scf.for %scan3A_135 = %scan3A to %scan3A_108 step %scan3A_109  : i32 {
        %mul3A_136 = arith.constant 16 : i32
        %mul3A_137 = arith.muli %scan3A_135, %mul3A_136 : i32
        %add3A_138 = arith.constant 0 : i32
        %add3A_139 = arith.addi %add3A_138, %mul3A_137 : i32
        %broadcast_in_dim3A = arith.constant 0.000000e+00 : f32
        %broadcast_in_dim3A_140 = vector.broadcast %broadcast_in_dim3A : f32 to vector<16xf32>
        %swap3A = arith.constant 0 : i32
        %swap3A_141 = arith.index_cast %swap3A : i32 to index
        %swap3A_142 = arith.index_cast %add3A_139 : i32 to index
        %swap3A_143 = tpu.vector_load %arg8[%swap3A_141, %swap3A_142] {strides = array<i32>} : memref<64x1024xf32, #tpu.memory_space<vmem>>, vector<1x16xf32>,
        %swap3A_144 = vector.shape_cast %swap3A_143 : vector<1x16xf32> to vector<16xf32>
        %swap3A_145 = vector.shape_cast %broadcast_in_dim3A_140 : vector<16xf32> to vector<1x16xf32>
        tpu.vector_store %arg8[%swap3A_141, %swap3A_142], %swap3A_145 {strides = array<i32>} : memref<64x1024xf32, #tpu.memory_space<vmem>>, vector<1x16xf32>,
      }
      %scan3A_110 = arith.constant 64 : i32
      %dma_start3A_111 = arith.constant 0 : i32
      %dma_start3A_112 = arith.constant 0 : i32
      %dma_start3A_113 = tpu.memref_slice %arg8[%dma_start3A_111, %dma_start3A_112] : memref<64x1024xf32, #tpu.memory_space<vmem>> -> memref<1x1024xf32, #tpu.memory_space<vmem>>
      %dma_start3A_114 = arith.constant 5120 : i32
      %dma_start3A_115 = arith.constant 0 : i32
      %dma_start3A_116 = tpu.memref_slice %arg5[%dma_start3A_114, %dma_start3A_115] : memref<5122x1024xf32, #tpu.memory_space<hbm>> -> memref<1x1024xf32, #tpu.memory_space<hbm>>
      %dma_start3A_117 = arith.constant 5120 : i32
      %dma_start3A_118 = arith.constant 0 : i32
      %dma_start3A_119 = tpu.memref_slice %arg5[%dma_start3A_117, %dma_start3A_118] : memref<5122x1024xf32, #tpu.memory_space<hbm>> -> memref<1x1024xf32, #tpu.memory_space<hbm>>
      %dma_start3A_120 = arith.constant 0 : i32
      %dma_start3A_121 = arith.constant 0 : i32
      %dma_start3A_122 = tpu.memref_slice %arg8[%dma_start3A_120, %dma_start3A_121] : memref<64x1024xf32, #tpu.memory_space<vmem>> -> memref<1x1024xf32, #tpu.memory_space<vmem>>
      tpu.enqueue_dma source(%dma_start3A_122 : memref<1x1024xf32, #tpu.memory_space<vmem>>) target(%dma_start3A_119 : memref<1x1024xf32, #tpu.memory_space<hbm>>) target_semaphore(%arg10 : memref<!tpu.dma_semaphore, #tpu.memory_space<semaphore_mem>>)
      %dma_wait3A_123 = arith.constant 0 : i32
      %dma_wait3A_124 = arith.constant 0 : i32
      %dma_wait3A_125 = tpu.memref_slice %arg8[%dma_wait3A_123, %dma_wait3A_124] : memref<64x1024xf32, #tpu.memory_space<vmem>> -> memref<1x1024xf32, #tpu.memory_space<vmem>>
      %dma_wait3A_126 = arith.constant 5120 : i32
      %dma_wait3A_127 = arith.constant 0 : i32
      %dma_wait3A_128 = tpu.memref_slice %arg5[%dma_wait3A_126, %dma_wait3A_127] : memref<5122x1024xf32, #tpu.memory_space<hbm>> -> memref<1x1024xf32, #tpu.memory_space<hbm>>
      %dma_wait3A_129 = arith.constant 5120 : i32
      %dma_wait3A_130 = arith.constant 0 : i32
      %dma_wait3A_131 = tpu.memref_slice %arg5[%dma_wait3A_129, %dma_wait3A_130] : memref<5122x1024xf32, #tpu.memory_space<hbm>> -> memref<1x1024xf32, #tpu.memory_space<hbm>>
      %dma_wait3A_132 = arith.constant 0 : i32
      %dma_wait3A_133 = arith.constant 0 : i32
      %dma_wait3A_134 = tpu.memref_slice %arg8[%dma_wait3A_132, %dma_wait3A_133] : memref<64x1024xf32, #tpu.memory_space<vmem>> -> memref<1x1024xf32, #tpu.memory_space<vmem>>
      tpu.wait_dma2 semaphore(%arg10 : memref<!tpu.dma_semaphore, #tpu.memory_space<semaphore_mem>>) src(%dma_wait3A_134 : memref<1x1024xf32, #tpu.memory_space<vmem>>) dst(%dma_wait3A_131 : memref<1x1024xf32, #tpu.memory_space<hbm>>)
    } else {
    }
    %mul3A_11 = arith.constant 128 : i32
    %mul3A_12 = arith.muli %add3A, %mul3A_11 : i32
    %add3A_13 = arith.constant 0 : i32
    %add3A_14 = arith.addi %mul3A_12, %add3A_13 : i32
    %dma_start3A_15 = arith.constant 0 : i32
    %dma_start3A_16 = tpu.memref_slice %arg2[%add3A_14, %dma_start3A_15] : memref<4096x1024xf32, #tpu.memory_space<hbm>> -> memref<64x1024xf32, #tpu.memory_space<hbm>>
    %dma_start3A_17 = arith.constant 0 : i32
    %dma_start3A_18 = tpu.memref_slice %arg2[%add3A_14, %dma_start3A_17] : memref<4096x1024xf32, #tpu.memory_space<hbm>> -> memref<64x1024xf32, #tpu.memory_space<hbm>>
    tpu.enqueue_dma source(%dma_start3A_18 : memref<64x1024xf32, #tpu.memory_space<hbm>>) target(%arg8 : memref<64x1024xf32, #tpu.memory_space<vmem>>) target_semaphore(%arg10 : memref<!tpu.dma_semaphore, #tpu.memory_space<semaphore_mem>>)
    %dma_wait3A_19 = arith.constant 0 : i32
    %dma_wait3A_20 = tpu.memref_slice %arg2[%add3A_14, %dma_wait3A_19] : memref<4096x1024xf32, #tpu.memory_space<hbm>> -> memref<64x1024xf32, #tpu.memory_space<hbm>>
    %dma_wait3A_21 = arith.constant 0 : i32
    %dma_wait3A_22 = tpu.memref_slice %arg2[%add3A_14, %dma_wait3A_21] : memref<4096x1024xf32, #tpu.memory_space<hbm>> -> memref<64x1024xf32, #tpu.memory_space<hbm>>
    tpu.wait_dma2 semaphore(%arg10 : memref<!tpu.dma_semaphore, #tpu.memory_space<semaphore_mem>>) src(%dma_wait3A_22 : memref<64x1024xf32, #tpu.memory_space<hbm>>) dst(%arg8 : memref<64x1024xf32, #tpu.memory_space<vmem>>)
    %dma_start3A_23 = arith.constant 0 : i32
    %dma_start3A_24 = arith.constant 0 : i32
    %dma_start3A_25 = tpu.memref_slice %arg7[%dma_start3A_23, %dma_start3A_24] : memref<2x64xi32, #tpu.memory_space<vmem>> -> memref<1x64xi32, #tpu.memory_space<vmem>>
    %dma_start3A_26 = tpu.memref_squeeze %dma_start3A_25 : memref<1x64xi32, #tpu.memory_space<vmem>> -> memref<64xi32, #tpu.memory_space<vmem>>
    %dma_start3A_27 = arith.constant 0 : i32
    %dma_start3A_28 = arith.constant 0 : i32
    %dma_start3A_29 = tpu.memref_slice %arg5[%dma_start3A_27, %dma_start3A_28] : memref<5122x1024xf32, #tpu.memory_space<hbm>> -> memref<5122x1024xf32, #tpu.memory_space<hbm>>
    tpu.enqueue_indirect_dma source(%arg8 : memref<64x1024xf32, #tpu.memory_space<vmem>>) target(%dma_start3A_29 : memref<5122x1024xf32, #tpu.memory_space<hbm>>) offsets(%dma_start3A_26 : memref<64xi32, #tpu.memory_space<vmem>>) semaphore(%arg10 : memref<!tpu.dma_semaphore, #tpu.memory_space<semaphore_mem>>)
    %dma_wait3A_30 = arith.constant 0 : i32
    %dma_wait3A_31 = arith.constant 0 : i32
    %dma_wait3A_32 = tpu.memref_slice %arg7[%dma_wait3A_30, %dma_wait3A_31] : memref<2x64xi32, #tpu.memory_space<vmem>> -> memref<1x64xi32, #tpu.memory_space<vmem>>
    %dma_wait3A_33 = tpu.memref_squeeze %dma_wait3A_32 : memref<1x64xi32, #tpu.memory_space<vmem>> -> memref<64xi32, #tpu.memory_space<vmem>>
    %dma_wait3A_34 = arith.constant 0 : i32
    %dma_wait3A_35 = arith.constant 0 : i32
    %dma_wait3A_36 = tpu.memref_slice %arg5[%dma_wait3A_34, %dma_wait3A_35] : memref<5122x1024xf32, #tpu.memory_space<hbm>> -> memref<5122x1024xf32, #tpu.memory_space<hbm>>
    tpu.wait_indirect_dma semaphore(%arg10 : memref<!tpu.dma_semaphore, #tpu.memory_space<semaphore_mem>>) src(%arg8 : memref<64x1024xf32, #tpu.memory_space<vmem>>) dst(%dma_wait3A_36 : memref<5122x1024xf32, #tpu.memory_space<hbm>>)
    %dma_start3A_37 = arith.constant 0 : i32
    %dma_start3A_38 = tpu.memref_slice %arg3[%add3A_14, %dma_start3A_37] : memref<4096x128xf32, #tpu.memory_space<hbm>> -> memref<64x128xf32, #tpu.memory_space<hbm>>
    %dma_start3A_39 = arith.constant 0 : i32
    %dma_start3A_40 = tpu.memref_slice %arg3[%add3A_14, %dma_start3A_39] : memref<4096x128xf32, #tpu.memory_space<hbm>> -> memref<64x128xf32, #tpu.memory_space<hbm>>
    tpu.enqueue_dma source(%dma_start3A_40 : memref<64x128xf32, #tpu.memory_space<hbm>>) target(%arg9 : memref<64x128xf32, #tpu.memory_space<vmem>>) target_semaphore(%arg10 : memref<!tpu.dma_semaphore, #tpu.memory_space<semaphore_mem>>)
    %dma_wait3A_41 = arith.constant 0 : i32
    %dma_wait3A_42 = tpu.memref_slice %arg3[%add3A_14, %dma_wait3A_41] : memref<4096x128xf32, #tpu.memory_space<hbm>> -> memref<64x128xf32, #tpu.memory_space<hbm>>
    %dma_wait3A_43 = arith.constant 0 : i32
    %dma_wait3A_44 = tpu.memref_slice %arg3[%add3A_14, %dma_wait3A_43] : memref<4096x128xf32, #tpu.memory_space<hbm>> -> memref<64x128xf32, #tpu.memory_space<hbm>>
    tpu.wait_dma2 semaphore(%arg10 : memref<!tpu.dma_semaphore, #tpu.memory_space<semaphore_mem>>) src(%dma_wait3A_44 : memref<64x128xf32, #tpu.memory_space<hbm>>) dst(%arg9 : memref<64x128xf32, #tpu.memory_space<vmem>>)
    %dma_start3A_45 = arith.constant 0 : i32
    %dma_start3A_46 = arith.constant 0 : i32
    %dma_start3A_47 = tpu.memref_slice %arg7[%dma_start3A_45, %dma_start3A_46] : memref<2x64xi32, #tpu.memory_space<vmem>> -> memref<1x64xi32, #tpu.memory_space<vmem>>
    %dma_start3A_48 = tpu.memref_squeeze %dma_start3A_47 : memref<1x64xi32, #tpu.memory_space<vmem>> -> memref<64xi32, #tpu.memory_space<vmem>>
    %dma_start3A_49 = arith.constant 0 : i32
    %dma_start3A_50 = arith.constant 0 : i32
    %dma_start3A_51 = tpu.memref_slice %arg6[%dma_start3A_49, %dma_start3A_50] : memref<5122x128xf32, #tpu.memory_space<hbm>> -> memref<5122x128xf32, #tpu.memory_space<hbm>>
    tpu.enqueue_indirect_dma source(%arg9 : memref<64x128xf32, #tpu.memory_space<vmem>>) target(%dma_start3A_51 : memref<5122x128xf32, #tpu.memory_space<hbm>>) offsets(%dma_start3A_48 : memref<64xi32, #tpu.memory_space<vmem>>) semaphore(%arg10 : memref<!tpu.dma_semaphore, #tpu.memory_space<semaphore_mem>>)
    %dma_wait3A_52 = arith.constant 0 : i32
    %dma_wait3A_53 = arith.constant 0 : i32
    %dma_wait3A_54 = tpu.memref_slice %arg7[%dma_wait3A_52, %dma_wait3A_53] : memref<2x64xi32, #tpu.memory_space<vmem>> -> memref<1x64xi32, #tpu.memory_space<vmem>>
    %dma_wait3A_55 = tpu.memref_squeeze %dma_wait3A_54 : memref<1x64xi32, #tpu.memory_space<vmem>> -> memref<64xi32, #tpu.memory_space<vmem>>
    %dma_wait3A_56 = arith.constant 0 : i32
    %dma_wait3A_57 = arith.constant 0 : i32
    %dma_wait3A_58 = tpu.memref_slice %arg6[%dma_wait3A_56, %dma_wait3A_57] : memref<5122x128xf32, #tpu.memory_space<hbm>> -> memref<5122x128xf32, #tpu.memory_space<hbm>>
    tpu.wait_indirect_dma semaphore(%arg10 : memref<!tpu.dma_semaphore, #tpu.memory_space<semaphore_mem>>) src(%arg9 : memref<64x128xf32, #tpu.memory_space<vmem>>) dst(%dma_wait3A_58 : memref<5122x128xf32, #tpu.memory_space<hbm>>)
    %mul3A_59 = arith.constant 128 : i32
    %mul3A_60 = arith.muli %add3A, %mul3A_59 : i32
    %add3A_61 = arith.constant 64 : i32
    %add3A_62 = arith.addi %mul3A_60, %add3A_61 : i32
    %dma_start3A_63 = arith.constant 0 : i32
    %dma_start3A_64 = tpu.memref_slice %arg2[%add3A_62, %dma_start3A_63] : memref<4096x1024xf32, #tpu.memory_space<hbm>> -> memref<64x1024xf32, #tpu.memory_space<hbm>>
    %dma_start3A_65 = arith.constant 0 : i32
    %dma_start3A_66 = tpu.memref_slice %arg2[%add3A_62, %dma_start3A_65] : memref<4096x1024xf32, #tpu.memory_space<hbm>> -> memref<64x1024xf32, #tpu.memory_space<hbm>>
    tpu.enqueue_dma source(%dma_start3A_66 : memref<64x1024xf32, #tpu.memory_space<hbm>>) target(%arg8 : memref<64x1024xf32, #tpu.memory_space<vmem>>) target_semaphore(%arg10 : memref<!tpu.dma_semaphore, #tpu.memory_space<semaphore_mem>>)
    %dma_wait3A_67 = arith.constant 0 : i32
    %dma_wait3A_68 = tpu.memref_slice %arg2[%add3A_62, %dma_wait3A_67] : memref<4096x1024xf32, #tpu.memory_space<hbm>> -> memref<64x1024xf32, #tpu.memory_space<hbm>>
    %dma_wait3A_69 = arith.constant 0 : i32
    %dma_wait3A_70 = tpu.memref_slice %arg2[%add3A_62, %dma_wait3A_69] : memref<4096x1024xf32, #tpu.memory_space<hbm>> -> memref<64x1024xf32, #tpu.memory_space<hbm>>
    tpu.wait_dma2 semaphore(%arg10 : memref<!tpu.dma_semaphore, #tpu.memory_space<semaphore_mem>>) src(%dma_wait3A_70 : memref<64x1024xf32, #tpu.memory_space<hbm>>) dst(%arg8 : memref<64x1024xf32, #tpu.memory_space<vmem>>)
    %dma_start3A_71 = arith.constant 1 : i32
    %dma_start3A_72 = arith.constant 0 : i32
    %dma_start3A_73 = tpu.memref_slice %arg7[%dma_start3A_71, %dma_start3A_72] : memref<2x64xi32, #tpu.memory_space<vmem>> -> memref<1x64xi32, #tpu.memory_space<vmem>>
    %dma_start3A_74 = tpu.memref_squeeze %dma_start3A_73 : memref<1x64xi32, #tpu.memory_space<vmem>> -> memref<64xi32, #tpu.memory_space<vmem>>
    %dma_start3A_75 = arith.constant 0 : i32
    %dma_start3A_76 = arith.constant 0 : i32
    %dma_start3A_77 = tpu.memref_slice %arg5[%dma_start3A_75, %dma_start3A_76] : memref<5122x1024xf32, #tpu.memory_space<hbm>> -> memref<5122x1024xf32, #tpu.memory_space<hbm>>
    tpu.enqueue_indirect_dma source(%arg8 : memref<64x1024xf32, #tpu.memory_space<vmem>>) target(%dma_start3A_77 : memref<5122x1024xf32, #tpu.memory_space<hbm>>) offsets(%dma_start3A_74 : memref<64xi32, #tpu.memory_space<vmem>>) semaphore(%arg10 : memref<!tpu.dma_semaphore, #tpu.memory_space<semaphore_mem>>)
    %dma_wait3A_78 = arith.constant 1 : i32
    %dma_wait3A_79 = arith.constant 0 : i32
    %dma_wait3A_80 = tpu.memref_slice %arg7[%dma_wait3A_78, %dma_wait3A_79] : memref<2x64xi32, #tpu.memory_space<vmem>> -> memref<1x64xi32, #tpu.memory_space<vmem>>
    %dma_wait3A_81 = tpu.memref_squeeze %dma_wait3A_80 : memref<1x64xi32, #tpu.memory_space<vmem>> -> memref<64xi32, #tpu.memory_space<vmem>>
    %dma_wait3A_82 = arith.constant 0 : i32
    %dma_wait3A_83 = arith.constant 0 : i32
    %dma_wait3A_84 = tpu.memref_slice %arg5[%dma_wait3A_82, %dma_wait3A_83] : memref<5122x1024xf32, #tpu.memory_space<hbm>> -> memref<5122x1024xf32, #tpu.memory_space<hbm>>
    tpu.wait_indirect_dma semaphore(%arg10 : memref<!tpu.dma_semaphore, #tpu.memory_space<semaphore_mem>>) src(%arg8 : memref<64x1024xf32, #tpu.memory_space<vmem>>) dst(%dma_wait3A_84 : memref<5122x1024xf32, #tpu.memory_space<hbm>>)
    %dma_start3A_85 = arith.constant 0 : i32
    %dma_start3A_86 = tpu.memref_slice %arg3[%add3A_62, %dma_start3A_85] : memref<4096x128xf32, #tpu.memory_space<hbm>> -> memref<64x128xf32, #tpu.memory_space<hbm>>
    %dma_start3A_87 = arith.constant 0 : i32
    %dma_start3A_88 = tpu.memref_slice %arg3[%add3A_62, %dma_start3A_87] : memref<4096x128xf32, #tpu.memory_space<hbm>> -> memref<64x128xf32, #tpu.memory_space<hbm>>
    tpu.enqueue_dma source(%dma_start3A_88 : memref<64x128xf32, #tpu.memory_space<hbm>>) target(%arg9 : memref<64x128xf32, #tpu.memory_space<vmem>>) target_semaphore(%arg10 : memref<!tpu.dma_semaphore, #tpu.memory_space<semaphore_mem>>)
    %dma_wait3A_89 = arith.constant 0 : i32
    %dma_wait3A_90 = tpu.memref_slice %arg3[%add3A_62, %dma_wait3A_89] : memref<4096x128xf32, #tpu.memory_space<hbm>> -> memref<64x128xf32, #tpu.memory_space<hbm>>
    %dma_wait3A_91 = arith.constant 0 : i32
    %dma_wait3A_92 = tpu.memref_slice %arg3[%add3A_62, %dma_wait3A_91] : memref<4096x128xf32, #tpu.memory_space<hbm>> -> memref<64x128xf32, #tpu.memory_space<hbm>>
    tpu.wait_dma2 semaphore(%arg10 : memref<!tpu.dma_semaphore, #tpu.memory_space<semaphore_mem>>) src(%dma_wait3A_92 : memref<64x128xf32, #tpu.memory_space<hbm>>) dst(%arg9 : memref<64x128xf32, #tpu.memory_space<vmem>>)
    %dma_start3A_93 = arith.constant 1 : i32
    %dma_start3A_94 = arith.constant 0 : i32
    %dma_start3A_95 = tpu.memref_slice %arg7[%dma_start3A_93, %dma_start3A_94] : memref<2x64xi32, #tpu.memory_space<vmem>> -> memref<1x64xi32, #tpu.memory_space<vmem>>
    %dma_start3A_96 = tpu.memref_squeeze %dma_start3A_95 : memref<1x64xi32, #tpu.memory_space<vmem>> -> memref<64xi32, #tpu.memory_space<vmem>>
    %dma_start3A_97 = arith.constant 0 : i32
    %dma_start3A_98 = arith.constant 0 : i32
    %dma_start3A_99 = tpu.memref_slice %arg6[%dma_start3A_97, %dma_start3A_98] : memref<5122x128xf32, #tpu.memory_space<hbm>> -> memref<5122x128xf32, #tpu.memory_space<hbm>>
    tpu.enqueue_indirect_dma source(%arg9 : memref<64x128xf32, #tpu.memory_space<vmem>>) target(%dma_start3A_99 : memref<5122x128xf32, #tpu.memory_space<hbm>>) offsets(%dma_start3A_96 : memref<64xi32, #tpu.memory_space<vmem>>) semaphore(%arg10 : memref<!tpu.dma_semaphore, #tpu.memory_space<semaphore_mem>>)
    %dma_wait3A_100 = arith.constant 1 : i32
    %dma_wait3A_101 = arith.constant 0 : i32
    %dma_wait3A_102 = tpu.memref_slice %arg7[%dma_wait3A_100, %dma_wait3A_101] : memref<2x64xi32, #tpu.memory_space<vmem>> -> memref<1x64xi32, #tpu.memory_space<vmem>>
    %dma_wait3A_103 = tpu.memref_squeeze %dma_wait3A_102 : memref<1x64xi32, #tpu.memory_space<vmem>> -> memref<64xi32, #tpu.memory_space<vmem>>
    %dma_wait3A_104 = arith.constant 0 : i32
    %dma_wait3A_105 = arith.constant 0 : i32
    %dma_wait3A_106 = tpu.memref_slice %arg6[%dma_wait3A_104, %dma_wait3A_105] : memref<5122x128xf32, #tpu.memory_space<hbm>> -> memref<5122x128xf32, #tpu.memory_space<hbm>>
    tpu.wait_indirect_dma semaphore(%arg10 : memref<!tpu.dma_semaphore, #tpu.memory_space<semaphore_mem>>) src(%arg9 : memref<64x128xf32, #tpu.memory_space<vmem>>) dst(%dma_wait3A_106 : memref<5122x128xf32, #tpu.memory_space<hbm>>)
    return
  }
}

#map = affine_map<(d0, d1) -> (0, 0)>
module attributes {stable_mosaic.version = 14 : i64} {
  func.func @comb(%arg0: i32, %arg1: i32, %arg2: memref<5122x1024xf32, #tpu.memory_space<hbm>>, %arg3: memref<64x64xi32, #tpu.memory_space<hbm>>, %arg4: memref<4096x1024xf32, #tpu.memory_space<hbm>>, %arg5: memref<2x64xi32, #tpu.memory_space<vmem>>, %arg6: memref<64x1024xf32, #tpu.memory_space<vmem>>, %arg7: memref<!tpu.dma_semaphore, #tpu.memory_space<semaphore_mem>>) attributes {dimension_semantics = [#tpu.dimension_semantics<core_parallel>, #tpu.dimension_semantics<subcore_parallel>], iteration_bounds = array<i64: 2, 16>, scalar_prefetch = 0 : i64, scratch_operands = 3 : i64, tpu.core_type = #tpu.core_type<sc_vector_subcore>, window_params = [{transform_indices = #map}, {transform_indices = #map}, {transform_indices = #map}]} {
    %mul3A = arith.constant 2 : i32
    %mul3A_0 = arith.muli %arg1, %mul3A : i32
    %add3A = arith.addi %mul3A_0, %arg0 : i32
    %mul3A_1 = arith.constant 2 : i32
    %mul3A_2 = arith.muli %add3A, %mul3A_1 : i32
    %dma_start3A = arith.constant 0 : i32
    %dma_start3A_3 = tpu.memref_slice %arg3[%mul3A_2, %dma_start3A] : memref<64x64xi32, #tpu.memory_space<hbm>> -> memref<2x64xi32, #tpu.memory_space<hbm>>
    %dma_start3A_4 = arith.constant 0 : i32
    %dma_start3A_5 = tpu.memref_slice %arg3[%mul3A_2, %dma_start3A_4] : memref<64x64xi32, #tpu.memory_space<hbm>> -> memref<2x64xi32, #tpu.memory_space<hbm>>
    tpu.enqueue_dma source(%dma_start3A_5 : memref<2x64xi32, #tpu.memory_space<hbm>>) target(%arg5 : memref<2x64xi32, #tpu.memory_space<vmem>>) target_semaphore(%arg7 : memref<!tpu.dma_semaphore, #tpu.memory_space<semaphore_mem>>)
    %dma_wait3A = arith.constant 0 : i32
    %dma_wait3A_6 = tpu.memref_slice %arg3[%mul3A_2, %dma_wait3A] : memref<64x64xi32, #tpu.memory_space<hbm>> -> memref<2x64xi32, #tpu.memory_space<hbm>>
    %dma_wait3A_7 = arith.constant 0 : i32
    %dma_wait3A_8 = tpu.memref_slice %arg3[%mul3A_2, %dma_wait3A_7] : memref<64x64xi32, #tpu.memory_space<hbm>> -> memref<2x64xi32, #tpu.memory_space<hbm>>
    tpu.wait_dma2 semaphore(%arg7 : memref<!tpu.dma_semaphore, #tpu.memory_space<semaphore_mem>>) src(%dma_wait3A_8 : memref<2x64xi32, #tpu.memory_space<hbm>>) dst(%arg5 : memref<2x64xi32, #tpu.memory_space<vmem>>)
    %mul3A_9 = arith.constant 128 : i32
    %mul3A_10 = arith.muli %add3A, %mul3A_9 : i32
    %add3A_11 = arith.constant 0 : i32
    %add3A_12 = arith.addi %mul3A_10, %add3A_11 : i32
    %dma_start3A_13 = arith.constant 0 : i32
    %dma_start3A_14 = arith.constant 0 : i32
    %dma_start3A_15 = tpu.memref_slice %arg5[%dma_start3A_13, %dma_start3A_14] : memref<2x64xi32, #tpu.memory_space<vmem>> -> memref<1x64xi32, #tpu.memory_space<vmem>>
    %dma_start3A_16 = tpu.memref_squeeze %dma_start3A_15 : memref<1x64xi32, #tpu.memory_space<vmem>> -> memref<64xi32, #tpu.memory_space<vmem>>
    %dma_start3A_17 = arith.constant 0 : i32
    %dma_start3A_18 = arith.constant 0 : i32
    %dma_start3A_19 = tpu.memref_slice %arg2[%dma_start3A_17, %dma_start3A_18] : memref<5122x1024xf32, #tpu.memory_space<hbm>> -> memref<5122x1024xf32, #tpu.memory_space<hbm>>
    tpu.enqueue_indirect_dma source(%dma_start3A_19 : memref<5122x1024xf32, #tpu.memory_space<hbm>>) target(%arg6 : memref<64x1024xf32, #tpu.memory_space<vmem>>) offsets(%dma_start3A_16 : memref<64xi32, #tpu.memory_space<vmem>>) semaphore(%arg7 : memref<!tpu.dma_semaphore, #tpu.memory_space<semaphore_mem>>)
    %dma_wait3A_20 = arith.constant 0 : i32
    %dma_wait3A_21 = arith.constant 0 : i32
    %dma_wait3A_22 = tpu.memref_slice %arg5[%dma_wait3A_20, %dma_wait3A_21] : memref<2x64xi32, #tpu.memory_space<vmem>> -> memref<1x64xi32, #tpu.memory_space<vmem>>
    %dma_wait3A_23 = tpu.memref_squeeze %dma_wait3A_22 : memref<1x64xi32, #tpu.memory_space<vmem>> -> memref<64xi32, #tpu.memory_space<vmem>>
    %dma_wait3A_24 = arith.constant 0 : i32
    %dma_wait3A_25 = arith.constant 0 : i32
    %dma_wait3A_26 = tpu.memref_slice %arg2[%dma_wait3A_24, %dma_wait3A_25] : memref<5122x1024xf32, #tpu.memory_space<hbm>> -> memref<5122x1024xf32, #tpu.memory_space<hbm>>
    tpu.wait_indirect_dma semaphore(%arg7 : memref<!tpu.dma_semaphore, #tpu.memory_space<semaphore_mem>>) src(%dma_wait3A_26 : memref<5122x1024xf32, #tpu.memory_space<hbm>>) dst(%arg6 : memref<64x1024xf32, #tpu.memory_space<vmem>>)
    %dma_start3A_27 = arith.constant 0 : i32
    %dma_start3A_28 = tpu.memref_slice %arg4[%add3A_12, %dma_start3A_27] : memref<4096x1024xf32, #tpu.memory_space<hbm>> -> memref<64x1024xf32, #tpu.memory_space<hbm>>
    %dma_start3A_29 = arith.constant 0 : i32
    %dma_start3A_30 = tpu.memref_slice %arg4[%add3A_12, %dma_start3A_29] : memref<4096x1024xf32, #tpu.memory_space<hbm>> -> memref<64x1024xf32, #tpu.memory_space<hbm>>
    tpu.enqueue_dma source(%arg6 : memref<64x1024xf32, #tpu.memory_space<vmem>>) target(%dma_start3A_30 : memref<64x1024xf32, #tpu.memory_space<hbm>>) target_semaphore(%arg7 : memref<!tpu.dma_semaphore, #tpu.memory_space<semaphore_mem>>)
    %dma_wait3A_31 = arith.constant 0 : i32
    %dma_wait3A_32 = tpu.memref_slice %arg4[%add3A_12, %dma_wait3A_31] : memref<4096x1024xf32, #tpu.memory_space<hbm>> -> memref<64x1024xf32, #tpu.memory_space<hbm>>
    %dma_wait3A_33 = arith.constant 0 : i32
    %dma_wait3A_34 = tpu.memref_slice %arg4[%add3A_12, %dma_wait3A_33] : memref<4096x1024xf32, #tpu.memory_space<hbm>> -> memref<64x1024xf32, #tpu.memory_space<hbm>>
    tpu.wait_dma2 semaphore(%arg7 : memref<!tpu.dma_semaphore, #tpu.memory_space<semaphore_mem>>) src(%arg6 : memref<64x1024xf32, #tpu.memory_space<vmem>>) dst(%dma_wait3A_34 : memref<64x1024xf32, #tpu.memory_space<hbm>>)
    %mul3A_35 = arith.constant 128 : i32
    %mul3A_36 = arith.muli %add3A, %mul3A_35 : i32
    %add3A_37 = arith.constant 64 : i32
    %add3A_38 = arith.addi %mul3A_36, %add3A_37 : i32
    %dma_start3A_39 = arith.constant 1 : i32
    %dma_start3A_40 = arith.constant 0 : i32
    %dma_start3A_41 = tpu.memref_slice %arg5[%dma_start3A_39, %dma_start3A_40] : memref<2x64xi32, #tpu.memory_space<vmem>> -> memref<1x64xi32, #tpu.memory_space<vmem>>
    %dma_start3A_42 = tpu.memref_squeeze %dma_start3A_41 : memref<1x64xi32, #tpu.memory_space<vmem>> -> memref<64xi32, #tpu.memory_space<vmem>>
    %dma_start3A_43 = arith.constant 0 : i32
    %dma_start3A_44 = arith.constant 0 : i32
    %dma_start3A_45 = tpu.memref_slice %arg2[%dma_start3A_43, %dma_start3A_44] : memref<5122x1024xf32, #tpu.memory_space<hbm>> -> memref<5122x1024xf32, #tpu.memory_space<hbm>>
    tpu.enqueue_indirect_dma source(%dma_start3A_45 : memref<5122x1024xf32, #tpu.memory_space<hbm>>) target(%arg6 : memref<64x1024xf32, #tpu.memory_space<vmem>>) offsets(%dma_start3A_42 : memref<64xi32, #tpu.memory_space<vmem>>) semaphore(%arg7 : memref<!tpu.dma_semaphore, #tpu.memory_space<semaphore_mem>>)
    %dma_wait3A_46 = arith.constant 1 : i32
    %dma_wait3A_47 = arith.constant 0 : i32
    %dma_wait3A_48 = tpu.memref_slice %arg5[%dma_wait3A_46, %dma_wait3A_47] : memref<2x64xi32, #tpu.memory_space<vmem>> -> memref<1x64xi32, #tpu.memory_space<vmem>>
    %dma_wait3A_49 = tpu.memref_squeeze %dma_wait3A_48 : memref<1x64xi32, #tpu.memory_space<vmem>> -> memref<64xi32, #tpu.memory_space<vmem>>
    %dma_wait3A_50 = arith.constant 0 : i32
    %dma_wait3A_51 = arith.constant 0 : i32
    %dma_wait3A_52 = tpu.memref_slice %arg2[%dma_wait3A_50, %dma_wait3A_51] : memref<5122x1024xf32, #tpu.memory_space<hbm>> -> memref<5122x1024xf32, #tpu.memory_space<hbm>>
    tpu.wait_indirect_dma semaphore(%arg7 : memref<!tpu.dma_semaphore, #tpu.memory_space<semaphore_mem>>) src(%dma_wait3A_52 : memref<5122x1024xf32, #tpu.memory_space<hbm>>) dst(%arg6 : memref<64x1024xf32, #tpu.memory_space<vmem>>)
    %dma_start3A_53 = arith.constant 0 : i32
    %dma_start3A_54 = tpu.memref_slice %arg4[%add3A_38, %dma_start3A_53] : memref<4096x1024xf32, #tpu.memory_space<hbm>> -> memref<64x1024xf32, #tpu.memory_space<hbm>>
    %dma_start3A_55 = arith.constant 0 : i32
    %dma_start3A_56 = tpu.memref_slice %arg4[%add3A_38, %dma_start3A_55] : memref<4096x1024xf32, #tpu.memory_space<hbm>> -> memref<64x1024xf32, #tpu.memory_space<hbm>>
    tpu.enqueue_dma source(%arg6 : memref<64x1024xf32, #tpu.memory_space<vmem>>) target(%dma_start3A_56 : memref<64x1024xf32, #tpu.memory_space<hbm>>) target_semaphore(%arg7 : memref<!tpu.dma_semaphore, #tpu.memory_space<semaphore_mem>>)
    %dma_wait3A_57 = arith.constant 0 : i32
    %dma_wait3A_58 = tpu.memref_slice %arg4[%add3A_38, %dma_wait3A_57] : memref<4096x1024xf32, #tpu.memory_space<hbm>> -> memref<64x1024xf32, #tpu.memory_space<hbm>>
    %dma_wait3A_59 = arith.constant 0 : i32
    %dma_wait3A_60 = tpu.memref_slice %arg4[%add3A_38, %dma_wait3A_59] : memref<4096x1024xf32, #tpu.memory_space<hbm>> -> memref<64x1024xf32, #tpu.memory_space<hbm>>
    tpu.wait_dma2 semaphore(%arg7 : memref<!tpu.dma_semaphore, #tpu.memory_space<semaphore_mem>>) src(%arg6 : memref<64x1024xf32, #tpu.memory_space<vmem>>) dst(%dma_wait3A_60 : memref<64x1024xf32, #tpu.memory_space<hbm>>)
    return
  }
}

module attributes {stable_mosaic.version = 14 : i64} {
  func.func @body(%arg0: i32, %arg1: i32, %arg2: memref<640x1024xf32, #tpu.memory_space<vmem>>, %arg3: memref<640x128xf32, #tpu.memory_space<vmem>>, %arg4: memref<1x1024x1024xf32, #tpu.memory_space<vmem>>, %arg5: memref<1x1x1024xf32, #tpu.memory_space<vmem>>, %arg6: memref<1x1024x1024xf32, #tpu.memory_space<vmem>>, %arg7: memref<1x1x1024xf32, #tpu.memory_space<vmem>>, %arg8: memref<640x1024xf32, #tpu.memory_space<vmem>>) attributes {dimension_semantics = [#tpu.dimension_semantics<arbitrary>, #tpu.dimension_semantics<arbitrary>], iteration_bounds = array<i64: 8, 4>, scalar_prefetch = 0 : i64, scratch_operands = 0 : i64, tpu.core_type = #tpu.core_type<tc>, window_params = [{transform_indices = @transform_0, window_bounds = array<i64: 640, 1024>}, {transform_indices = @transform_1, window_bounds = array<i64: 640, 128>}, {transform_indices = @transform_2, window_bounds = array<i64: 1, 1024, 1024>}, {transform_indices = @transform_3, window_bounds = array<i64: 1, 1, 1024>}, {transform_indices = @transform_4, window_bounds = array<i64: 1, 1024, 1024>}, {transform_indices = @transform_5, window_bounds = array<i64: 1, 1, 1024>}, {transform_indices = @transform_6, window_bounds = array<i64: 640, 1024>}]} {
    %get3A = arith.constant 0 : index
    %get3A_0 = arith.constant 0 : index
    %get3A_1 = vector.load %arg2[%get3A, %get3A_0] : memref<640x1024xf32, #tpu.memory_space<vmem>>, vector<640x1024xf32>
    %convert_element_type3A = arith.truncf %get3A_1 : vector<640x1024xf32> to vector<640x1024xbf16>
    %get3A_2 = arith.constant 0 : index
    %get3A_3 = arith.constant 0 : index
    %get3A_4 = arith.constant 0 : index
    %get3A_5 = vector.load %arg4[%get3A_2, %get3A_3, %get3A_4] : memref<1x1024x1024xf32, #tpu.memory_space<vmem>>, vector<1x1024x1024xf32>
    %get3A_6 = vector.shape_cast %get3A_5 : vector<1x1024x1024xf32> to vector<1024x1024xf32>
    %convert_element_type3A_7 = arith.truncf %get3A_6 : vector<1024x1024xf32> to vector<1024x1024xbf16>
    %dot_general3A = arith.constant dense<0.000000e+00> : vector<640x1024xf32>
    %dot_general3A_8 = tpu.matmul %convert_element_type3A, %convert_element_type3A_7, %dot_general3A {dimension_numbers = #tpu.dot_dimension_numbers<[1], [1], [0], [0], [0, 0, 1, 0], [], []>, transpose_lhs_hint = false} : vector<640x1024xbf16>, vector<1024x1024xbf16>, vector<640x1024xf32> -> vector<640x1024xf32>
    %get3A_9 = arith.constant 0 : index
    %get3A_10 = arith.constant 0 : index
    %get3A_11 = arith.constant 0 : index
    %get3A_12 = vector.load %arg5[%get3A_9, %get3A_10, %get3A_11] : memref<1x1x1024xf32, #tpu.memory_space<vmem>>, vector<1x1x1024xf32>
    %get3A_13 = vector.shape_cast %get3A_12 : vector<1x1x1024xf32> to vector<1x1024xf32>
    %add3A = vector.broadcast %get3A_13 : vector<1x1024xf32> to vector<640x1024xf32>
    %add3A_14 = arith.addf %dot_general3A_8, %add3A : vector<640x1024xf32>
    %max3A = arith.constant 0.000000e+00 : f32
    %max3A_15 = vector.broadcast %max3A : f32 to vector<640x1024xf32>
    %max3A_16 = arith.maximumf %add3A_14, %max3A_15 : vector<640x1024xf32>
    %convert_element_type3A_17 = arith.truncf %max3A_16 : vector<640x1024xf32> to vector<640x1024xbf16>
    %get3A_18 = arith.constant 0 : index
    %get3A_19 = arith.constant 0 : index
    %get3A_20 = arith.constant 0 : index
    %get3A_21 = vector.load %arg6[%get3A_18, %get3A_19, %get3A_20] : memref<1x1024x1024xf32, #tpu.memory_space<vmem>>, vector<1x1024x1024xf32>
    %get3A_22 = vector.shape_cast %get3A_21 : vector<1x1024x1024xf32> to vector<1024x1024xf32>
    %convert_element_type3A_23 = arith.truncf %get3A_22 : vector<1024x1024xf32> to vector<1024x1024xbf16>
    %dot_general3A_24 = arith.constant dense<0.000000e+00> : vector<640x1024xf32>
    %dot_general3A_25 = tpu.matmul %convert_element_type3A_17, %convert_element_type3A_23, %dot_general3A_24 {dimension_numbers = #tpu.dot_dimension_numbers<[1], [1], [0], [0], [0, 0, 1, 0], [], []>, transpose_lhs_hint = false} : vector<640x1024xbf16>, vector<1024x1024xbf16>, vector<640x1024xf32> -> vector<640x1024xf32>
    %eq3A = arith.constant 0 : i32
    %eq3A_26 = arith.cmpi eq, %arg1, %eq3A : i32
    %convert_element_type3A_27 = arith.extui %eq3A_26 : i1 to i32
    %cond3A = arith.constant 0 : i32
    %cond3A_28 = arith.cmpi ne, %convert_element_type3A_27, %cond3A : i32
    scf.if %cond3A_28 {
      %swap3A = arith.constant 0 : index
      %swap3A_39 = arith.constant 0 : index
      %swap3A_40 = vector.load %arg8[%swap3A, %swap3A_39] : memref<640x1024xf32, #tpu.memory_space<vmem>>, vector<640x1024xf32>
      tpu.vector_store %arg8[%swap3A, %swap3A_39], %dot_general3A_25 {strides = array<i32>} : memref<640x1024xf32, #tpu.memory_space<vmem>>, vector<640x1024xf32>,
    } else {
    }
    %gt3A = arith.constant 0 : i32
    %gt3A_29 = arith.cmpi sgt, %arg1, %gt3A : i32
    %lt3A = arith.constant 3 : i32
    %lt3A_30 = arith.cmpi slt, %arg1, %lt3A : i32
    %and3A = arith.andi %gt3A_29, %lt3A_30 : i1
    %convert_element_type3A_31 = arith.extui %and3A : i1 to i32
    %cond3A_32 = arith.constant 0 : i32
    %cond3A_33 = arith.cmpi ne, %convert_element_type3A_31, %cond3A_32 : i32
    scf.if %cond3A_33 {
      %get3A_39 = arith.constant 0 : index
      %get3A_40 = arith.constant 0 : index
      %get3A_41 = vector.load %arg8[%get3A_39, %get3A_40] : memref<640x1024xf32, #tpu.memory_space<vmem>>, vector<640x1024xf32>
      %add3A_42 = arith.addf %get3A_41, %dot_general3A_25 : vector<640x1024xf32>
      %swap3A = arith.constant 0 : index
      %swap3A_43 = arith.constant 0 : index
      %swap3A_44 = vector.load %arg8[%swap3A, %swap3A_43] : memref<640x1024xf32, #tpu.memory_space<vmem>>, vector<640x1024xf32>
      tpu.vector_store %arg8[%swap3A, %swap3A_43], %add3A_42 {strides = array<i32>} : memref<640x1024xf32, #tpu.memory_space<vmem>>, vector<640x1024xf32>,
    } else {
    }
    %eq3A_34 = arith.constant 3 : i32
    %eq3A_35 = arith.cmpi eq, %arg1, %eq3A_34 : i32
    %convert_element_type3A_36 = arith.extui %eq3A_35 : i1 to i32
    %cond3A_37 = arith.constant 0 : i32
    %cond3A_38 = arith.cmpi ne, %convert_element_type3A_36, %cond3A_37 : i32
    scf.if %cond3A_38 {
      %get3A_39 = arith.constant 0 : index
      %get3A_40 = arith.constant 0 : index
      %get3A_41 = vector.load %arg3[%get3A_39, %get3A_40] : memref<640x128xf32, #tpu.memory_space<vmem>>, vector<640x128xf32>
      %slice3A = vector.extract_strided_slice %get3A_41 {offsets = [0, 0], sizes = [640, 1], strides = [1, 1]} : vector<640x128xf32> to vector<640x1xf32>
      %get3A_42 = arith.constant 0 : index
      %get3A_43 = arith.constant 0 : index
      %get3A_44 = vector.load %arg8[%get3A_42, %get3A_43] : memref<640x1024xf32, #tpu.memory_space<vmem>>, vector<640x1024xf32>
      %add3A_45 = arith.addf %get3A_44, %dot_general3A_25 : vector<640x1024xf32>
      %get3A_46 = arith.constant 0 : index
      %get3A_47 = arith.constant 0 : index
      %get3A_48 = arith.constant 0 : index
      %get3A_49 = vector.load %arg7[%get3A_46, %get3A_47, %get3A_48] : memref<1x1x1024xf32, #tpu.memory_space<vmem>>, vector<1x1x1024xf32>
      %get3A_50 = vector.shape_cast %get3A_49 : vector<1x1x1024xf32> to vector<1x1024xf32>
      %add3A_51 = vector.broadcast %get3A_50 : vector<1x1024xf32> to vector<640x1024xf32>
      %add3A_52 = arith.addf %add3A_45, %add3A_51 : vector<640x1024xf32>
      %mul3A = vector.broadcast %slice3A : vector<640x1xf32> to vector<640x1024xf32>
      %mul3A_53 = arith.mulf %add3A_52, %mul3A : vector<640x1024xf32>
      %swap3A = arith.constant 0 : index
      %swap3A_54 = arith.constant 0 : index
      %swap3A_55 = vector.load %arg8[%swap3A, %swap3A_54] : memref<640x1024xf32, #tpu.memory_space<vmem>>, vector<640x1024xf32>
      tpu.vector_store %arg8[%swap3A, %swap3A_54], %mul3A_53 {strides = array<i32>} : memref<640x1024xf32, #tpu.memory_space<vmem>>, vector<640x1024xf32>,
    } else {
    }
    return
  }
  func.func @transform_0(%arg0: i32, %arg1: i32) -> (i32, i32) {
    %c0_i32 = arith.constant 0 : i32
    %c0_i32_0 = arith.constant 0 : i32
    return %arg0, %c0_i32 : i32, i32
  }
  func.func @transform_1(%arg0: i32, %arg1: i32) -> (i32, i32) {
    %c0_i32 = arith.constant 0 : i32
    %c0_i32_0 = arith.constant 0 : i32
    return %arg0, %c0_i32 : i32, i32
  }
  func.func @transform_2(%arg0: i32, %arg1: i32) -> (i32, i32, i32) {
    %c0_i32 = arith.constant 0 : i32
    %c0_i32_0 = arith.constant 0 : i32
    return %arg0, %arg1, %c0_i32 : i32, i32, i32
  }
  func.func @transform_3(%arg0: i32, %arg1: i32) -> (i32, i32, i32) {
    %c0_i32 = arith.constant 0 : i32
    %c0_i32_0 = arith.constant 0 : i32
    return %arg0, %c0_i32, %arg1 : i32, i32, i32
  }
  func.func @transform_4(%arg0: i32, %arg1: i32) -> (i32, i32, i32) {
    %c0_i32 = arith.constant 0 : i32
    %c0_i32_0 = arith.constant 0 : i32
    return %arg0, %c0_i32, %arg1 : i32, i32, i32
  }
  func.func @transform_5(%arg0: i32, %arg1: i32) -> (i32, i32, i32) {
    %c0_i32 = arith.constant 0 : i32
    %c0_i32_0 = arith.constant 0 : i32
    %c0_i32_1 = arith.constant 0 : i32
    return %arg0, %c0_i32, %c0_i32_0 : i32, i32, i32
  }
  func.func @transform_6(%arg0: i32, %arg1: i32) -> (i32, i32) {
    %c0_i32 = arith.constant 0 : i32
    %c0_i32_0 = arith.constant 0 : i32
    return %arg0, %c0_i32 : i32, i32
  }
}

module attributes {stable_mosaic.version = 14 : i64} {
  func.func @body(%arg0: i32, %arg1: memref<512x1024xf32, #tpu.memory_space<vmem>>, %arg2: memref<8x1024xf32, #tpu.memory_space<vmem>>, %arg3: memref<1x8xf32, #tpu.memory_space<vmem>>, %arg4: memref<8x64xi32, #tpu.memory_space<vmem>>, %arg5: memref<8x64xi32, #tpu.memory_space<vmem>>, %arg6: memref<512x128xf32, #tpu.memory_space<vmem>>, %arg7: memref<1x1xf32, #tpu.memory_space<vmem>>, %arg8: memref<1x8xi32, #tpu.memory_space<vmem>>, %arg9: memref<1x8xf32, #tpu.memory_space<vmem>>, %arg10: memref<1x8xf32, #tpu.memory_space<vmem>>) attributes {dimension_semantics = [#tpu.dimension_semantics<arbitrary>], iteration_bounds = array<i64: 8>, scalar_prefetch = 0 : i64, scratch_operands = 2 : i64, tpu.core_type = #tpu.core_type<tc>, window_params = [{transform_indices = @transform_0, window_bounds = array<i64: 512, 1024>}, {pipeline_mode = #tpu.pipeline_mode<synchronous>, transform_indices = @transform_1, window_bounds = array<i64: 8, 1024>}, {pipeline_mode = #tpu.pipeline_mode<synchronous>, transform_indices = @transform_2, window_bounds = array<i64: 1, 8>}, {transform_indices = @transform_3, window_bounds = array<i64: 8, 64>}, {transform_indices = @transform_4, window_bounds = array<i64: 8, 64>}, {transform_indices = @transform_5, window_bounds = array<i64: 512, 128>}, {pipeline_mode = #tpu.pipeline_mode<synchronous>, transform_indices = @transform_6, window_bounds = array<i64: 1, 1>}, {pipeline_mode = #tpu.pipeline_mode<synchronous>, transform_indices = @transform_7, window_bounds = array<i64: 1, 8>}]} {
    %eq3A = arith.constant 0 : i32
    %eq3A_0 = arith.cmpi eq, %arg0, %eq3A : i32
    %convert_element_type3A = arith.extui %eq3A_0 : i1 to i32
    %cond3A = arith.constant 0 : i32
    %cond3A_1 = arith.cmpi ne, %convert_element_type3A, %cond3A : i32
    scf.if %cond3A_1 {
      %broadcast_in_dim3A_127 = arith.constant 0.000000e+00 : f32
      %broadcast_in_dim3A_128 = vector.broadcast %broadcast_in_dim3A_127 : f32 to vector<1x8xf32>
      %swap3A_129 = arith.constant 0 : index
      %swap3A_130 = arith.constant 0 : index
      %swap3A_131 = vector.load %arg9[%swap3A_129, %swap3A_130] : memref<1x8xf32, #tpu.memory_space<vmem>>, vector<1x8xf32>
      tpu.vector_store %arg9[%swap3A_129, %swap3A_130], %broadcast_in_dim3A_128 {strides = array<i32>} : memref<1x8xf32, #tpu.memory_space<vmem>>, vector<1x8xf32>,
      %broadcast_in_dim3A_132 = arith.constant 0.000000e+00 : f32
      %broadcast_in_dim3A_133 = vector.broadcast %broadcast_in_dim3A_132 : f32 to vector<1x8xf32>
      %swap3A_134 = arith.constant 0 : index
      %swap3A_135 = arith.constant 0 : index
      %swap3A_136 = vector.load %arg10[%swap3A_134, %swap3A_135] : memref<1x8xf32, #tpu.memory_space<vmem>>, vector<1x8xf32>
      tpu.vector_store %arg10[%swap3A_134, %swap3A_135], %broadcast_in_dim3A_133 {strides = array<i32>} : memref<1x8xf32, #tpu.memory_space<vmem>>, vector<1x8xf32>,
    } else {
    }
    %get3A = arith.constant 0 : index
    %get3A_2 = arith.constant 0 : index
    %get3A_3 = vector.load %arg1[%get3A, %get3A_2] : memref<512x1024xf32, #tpu.memory_space<vmem>>, vector<512x1024xf32>
    %convert_element_type3A_4 = arith.truncf %get3A_3 : vector<512x1024xf32> to vector<512x1024xbf16>
    %get3A_5 = arith.constant 0 : index
    %get3A_6 = arith.constant 0 : index
    %get3A_7 = vector.load %arg2[%get3A_5, %get3A_6] : memref<8x1024xf32, #tpu.memory_space<vmem>>, vector<8x1024xf32>
    %convert_element_type3A_8 = arith.truncf %get3A_7 : vector<8x1024xf32> to vector<8x1024xbf16>
    %dot_general3A = arith.constant dense<0.000000e+00> : vector<512x8xf32>
    %dot_general3A_9 = tpu.matmul %convert_element_type3A_4, %convert_element_type3A_8, %dot_general3A {dimension_numbers = #tpu.dot_dimension_numbers<[1], [1], [0], [0], [0, 0, 1, 0], [], []>, transpose_lhs_hint = false} : vector<512x1024xbf16>, vector<8x1024xbf16>, vector<512x8xf32> -> vector<512x8xf32>
    %get3A_10 = arith.constant 0 : index
    %get3A_11 = arith.constant 0 : index
    %get3A_12 = vector.load %arg3[%get3A_10, %get3A_11] : memref<1x8xf32, #tpu.memory_space<vmem>>, vector<1x8xf32>
    %add3A = vector.broadcast %get3A_12 : vector<1x8xf32> to vector<512x8xf32>
    %add3A_13 = arith.addf %dot_general3A_9, %add3A : vector<512x8xf32>
    %reduce_max3A = arith.constant dense<0xFF800000> : vector<512xf32>
    %reduce_max3A_14 = vector.multi_reduction <maximumf>, %add3A_13, %reduce_max3A [1] : vector<512x8xf32> to vector<512xf32>
    %broadcast_in_dim3A = vector.shape_cast %reduce_max3A_14 : vector<512xf32> to vector<512x1xf32>
    %sub3A = vector.broadcast %broadcast_in_dim3A : vector<512x1xf32> to vector<512x8xf32>
    %sub3A_15 = arith.subf %add3A_13, %sub3A : vector<512x8xf32>
    %exp3A = math.exp %sub3A_15 : vector<512x8xf32>
    %reduce_sum3A = arith.constant dense<0.000000e+00> : vector<512xf32>
    %reduce_sum3A_16 = vector.multi_reduction <add>, %exp3A, %reduce_sum3A [1] : vector<512x8xf32> to vector<512xf32>
    %broadcast_in_dim3A_17 = vector.shape_cast %reduce_sum3A_16 : vector<512xf32> to vector<512x1xf32>
    %div3A = vector.broadcast %broadcast_in_dim3A_17 : vector<512x1xf32> to vector<512x8xf32>
    %div3A_18 = arith.divf %exp3A, %div3A : vector<512x8xf32>
    %eq3A_19 = vector.broadcast %broadcast_in_dim3A : vector<512x1xf32> to vector<512x8xf32>
    %eq3A_20 = arith.cmpf oeq, %add3A_13, %eq3A_19 : vector<512x8xf32>
    %convert_element_type3A_21 = arith.extui %eq3A_20 : vector<512x8xi1> to vector<512x8xi32>
    %convert_element_type3A_22 = arith.sitofp %convert_element_type3A_21 : vector<512x8xi32> to vector<512x8xf32>
    %iota3A = tpu.iota {dimensions = array<i32: 0>} : vector<8x8xi32>
    %iota3A_23 = tpu.iota {dimensions = array<i32: 1>} : vector<8x8xi32>
    %le3A = arith.cmpi sle, %iota3A, %iota3A_23 : vector<8x8xi32>
    %convert_element_type3A_24 = arith.extui %le3A : vector<8x8xi1> to vector<8x8xi32>
    %convert_element_type3A_25 = arith.sitofp %convert_element_type3A_24 : vector<8x8xi32> to vector<8x8xf32>
    %convert_element_type3A_26 = arith.truncf %convert_element_type3A_22 : vector<512x8xf32> to vector<512x8xbf16>
    %convert_element_type3A_27 = arith.truncf %convert_element_type3A_25 : vector<8x8xf32> to vector<8x8xbf16>
    %dot_general3A_28 = arith.constant dense<0.000000e+00> : vector<512x8xf32>
    %dot_general3A_29 = tpu.matmul %convert_element_type3A_26, %convert_element_type3A_27, %dot_general3A_28 {dimension_numbers = #tpu.dot_dimension_numbers<[1], [0], [0], [1], [0, 0, 1, 1], [], []>, transpose_lhs_hint = false} : vector<512x8xbf16>, vector<8x8xbf16>, vector<512x8xf32> -> vector<512x8xf32>
    %eq3A_30 = arith.constant 1.000000e+00 : f32
    %eq3A_31 = vector.broadcast %eq3A_30 : f32 to vector<512x8xf32>
    %eq3A_32 = arith.cmpf oeq, %dot_general3A_29, %eq3A_31 : vector<512x8xf32>
    %eq3A_33 = arith.constant 1.000000e+00 : f32
    %eq3A_34 = vector.broadcast %eq3A_33 : f32 to vector<512x8xf32>
    %eq3A_35 = arith.cmpf oeq, %convert_element_type3A_22, %eq3A_34 : vector<512x8xf32>
    %and3A = arith.andi %eq3A_32, %eq3A_35 : vector<512x8xi1>
    %jit3A = arith.constant 1.000000e+00 : f32
    %jit3A_36 = arith.constant 0.000000e+00 : f32
    %broadcast_in_dim3A_37 = vector.broadcast %jit3A : f32 to vector<512x8xf32>
    %broadcast_in_dim3A_38 = vector.broadcast %jit3A_36 : f32 to vector<512x8xf32>
    %select_n3A = arith.select %and3A, %broadcast_in_dim3A_37, %broadcast_in_dim3A_38 : vector<512x8xi1>, vector<512x8xf32>
    %iota3A_39 = tpu.iota {dimensions = array<i32: 1>} : vector<512x512xi32>
    %iota3A_40 = tpu.iota {dimensions = array<i32: 0>} : vector<512x512xi32>
    %le3A_41 = arith.cmpi sle, %iota3A_39, %iota3A_40 : vector<512x512xi32>
    %convert_element_type3A_42 = arith.extui %le3A_41 : vector<512x512xi1> to vector<512x512xi32>
    %convert_element_type3A_43 = arith.sitofp %convert_element_type3A_42 : vector<512x512xi32> to vector<512x512xf32>
    %convert_element_type3A_44 = arith.truncf %convert_element_type3A_43 : vector<512x512xf32> to vector<512x512xbf16>
    %convert_element_type3A_45 = arith.truncf %select_n3A : vector<512x8xf32> to vector<512x8xbf16>
    %dot_general3A_46 = arith.constant dense<0.000000e+00> : vector<512x8xf32>
    %dot_general3A_47 = tpu.matmul %convert_element_type3A_44, %convert_element_type3A_45, %dot_general3A_46 {dimension_numbers = #tpu.dot_dimension_numbers<[1], [0], [0], [1], [0, 0, 1, 1], [], []>, transpose_lhs_hint = false} : vector<512x512xbf16>, vector<512x8xbf16>, vector<512x8xf32> -> vector<512x8xf32>
    %get3A_48 = arith.constant 0 : index
    %get3A_49 = arith.constant 0 : index
    %get3A_50 = vector.load %arg9[%get3A_48, %get3A_49] : memref<1x8xf32, #tpu.memory_space<vmem>>, vector<1x8xf32>
    %add3A_51 = vector.broadcast %get3A_50 : vector<1x8xf32> to vector<512x8xf32>
    %add3A_52 = arith.addf %dot_general3A_47, %add3A_51 : vector<512x8xf32>
    %iota3A_53 = tpu.iota {dimensions = array<i32: 1>} : vector<1x8xi32>
    %convert_element_type3A_54 = arith.sitofp %iota3A_53 : vector<1x8xi32> to vector<1x8xf32>
    %mul3A = vector.broadcast %convert_element_type3A_54 : vector<1x8xf32> to vector<512x8xf32>
    %mul3A_55 = arith.mulf %select_n3A, %mul3A : vector<512x8xf32>
    %reduce_sum3A_56 = arith.constant dense<0.000000e+00> : vector<512xf32>
    %reduce_sum3A_57 = vector.multi_reduction <add>, %mul3A_55, %reduce_sum3A_56 [1] : vector<512x8xf32> to vector<512xf32>
    %broadcast_in_dim3A_58 = vector.shape_cast %reduce_sum3A_57 : vector<512xf32> to vector<512x1xf32>
    %mul3A_59 = arith.mulf %div3A_18, %select_n3A : vector<512x8xf32>
    %reduce_sum3A_60 = arith.constant dense<0.000000e+00> : vector<512xf32>
    %reduce_sum3A_61 = vector.multi_reduction <add>, %mul3A_59, %reduce_sum3A_60 [1] : vector<512x8xf32> to vector<512xf32>
    %broadcast_in_dim3A_62 = vector.shape_cast %reduce_sum3A_61 : vector<512xf32> to vector<512x1xf32>
    %mul3A_63 = arith.mulf %add3A_52, %select_n3A : vector<512x8xf32>
    %reduce_sum3A_64 = arith.constant dense<0.000000e+00> : vector<512xf32>
    %reduce_sum3A_65 = vector.multi_reduction <add>, %mul3A_63, %reduce_sum3A_64 [1] : vector<512x8xf32> to vector<512xf32>
    %broadcast_in_dim3A_66 = vector.shape_cast %reduce_sum3A_65 : vector<512xf32> to vector<512x1xf32>
    %sub3A_67 = arith.constant 1.000000e+00 : f32
    %sub3A_68 = vector.broadcast %sub3A_67 : f32 to vector<512x1xf32>
    %sub3A_69 = arith.subf %broadcast_in_dim3A_66, %sub3A_68 : vector<512x1xf32>
    %lt3A = arith.constant 6.400000e+02 : f32
    %lt3A_70 = vector.broadcast %lt3A : f32 to vector<512x1xf32>
    %lt3A_71 = arith.cmpf olt, %sub3A_69, %lt3A_70 : vector<512x1xf32>
    %mul3A_72 = arith.constant 6.400000e+02 : f32
    %mul3A_73 = vector.broadcast %mul3A_72 : f32 to vector<512x1xf32>
    %mul3A_74 = arith.mulf %broadcast_in_dim3A_58, %mul3A_73 : vector<512x1xf32>
    %add3A_75 = arith.addf %mul3A_74, %sub3A_69 : vector<512x1xf32>
    %jit3A_76 = arith.constant 5.121000e+03 : f32
    %broadcast_in_dim3A_77 = vector.broadcast %jit3A_76 : f32 to vector<512x1xf32>
    %select_n3A_78 = arith.select %lt3A_71, %add3A_75, %broadcast_in_dim3A_77 : vector<512x1xi1>, vector<512x1xf32>
    %mul3A_79 = arith.constant 6.400000e+02 : f32
    %mul3A_80 = vector.broadcast %mul3A_79 : f32 to vector<512x1xf32>
    %mul3A_81 = arith.mulf %broadcast_in_dim3A_58, %mul3A_80 : vector<512x1xf32>
    %add3A_82 = arith.addf %mul3A_81, %sub3A_69 : vector<512x1xf32>
    %jit3A_83 = arith.constant 5.120000e+03 : f32
    %broadcast_in_dim3A_84 = vector.broadcast %jit3A_83 : f32 to vector<512x1xf32>
    %select_n3A_85 = arith.select %lt3A_71, %add3A_82, %broadcast_in_dim3A_84 : vector<512x1xi1>, vector<512x1xf32>
    %convert_element_type3A_86 = arith.fptosi %select_n3A_78 : vector<512x1xf32> to vector<512x1xi32>
    %reshape3A = vector.shape_cast %convert_element_type3A_86 : vector<512x1xi32> to vector<8x64xi32>
    %swap3A = arith.constant 0 : index
    %swap3A_87 = arith.constant 0 : index
    %swap3A_88 = vector.load %arg4[%swap3A, %swap3A_87] : memref<8x64xi32, #tpu.memory_space<vmem>>, vector<8x64xi32>
    tpu.vector_store %arg4[%swap3A, %swap3A_87], %reshape3A {strides = array<i32>} : memref<8x64xi32, #tpu.memory_space<vmem>>, vector<8x64xi32>,
    %convert_element_type3A_89 = arith.fptosi %select_n3A_85 : vector<512x1xf32> to vector<512x1xi32>
    %reshape3A_90 = vector.shape_cast %convert_element_type3A_89 : vector<512x1xi32> to vector<8x64xi32>
    %swap3A_91 = arith.constant 0 : index
    %swap3A_92 = arith.constant 0 : index
    %swap3A_93 = vector.load %arg5[%swap3A_91, %swap3A_92] : memref<8x64xi32, #tpu.memory_space<vmem>>, vector<8x64xi32>
    tpu.vector_store %arg5[%swap3A_91, %swap3A_92], %reshape3A_90 {strides = array<i32>} : memref<8x64xi32, #tpu.memory_space<vmem>>, vector<8x64xi32>,
    %jit3A_94 = arith.constant 0.000000e+00 : f32
    %broadcast_in_dim3A_95 = vector.broadcast %jit3A_94 : f32 to vector<512x1xf32>
    %select_n3A_96 = arith.select %lt3A_71, %broadcast_in_dim3A_62, %broadcast_in_dim3A_95 : vector<512x1xi1>, vector<512x1xf32>
    %broadcast_in_dim3A_97 = vector.shape_cast %select_n3A_96 : vector<512x1xf32> to vector<512x1xf32>
    %broadcast_in_dim3A_98 = vector.broadcast %broadcast_in_dim3A_97 : vector<512x1xf32> to vector<512x128xf32>
    %swap3A_99 = arith.constant 0 : index
    %swap3A_100 = arith.constant 0 : index
    %swap3A_101 = vector.load %arg6[%swap3A_99, %swap3A_100] : memref<512x128xf32, #tpu.memory_space<vmem>>, vector<512x128xf32>
    tpu.vector_store %arg6[%swap3A_99, %swap3A_100], %broadcast_in_dim3A_98 {strides = array<i32>} : memref<512x128xf32, #tpu.memory_space<vmem>>, vector<512x128xf32>,
    %get3A_102 = arith.constant 0 : index
    %get3A_103 = arith.constant 0 : index
    %get3A_104 = vector.load %arg9[%get3A_102, %get3A_103] : memref<1x8xf32, #tpu.memory_space<vmem>>, vector<1x8xf32>
    %reduce_sum3A_105 = arith.constant dense<0.000000e+00> : vector<8xf32>
    %reduce_sum3A_106 = vector.multi_reduction <add>, %select_n3A, %reduce_sum3A_105 [0] : vector<512x8xf32> to vector<8xf32>
    %broadcast_in_dim3A_107 = vector.shape_cast %reduce_sum3A_106 : vector<8xf32> to vector<1x8xf32>
    %add3A_108 = arith.addf %get3A_104, %broadcast_in_dim3A_107 : vector<1x8xf32>
    %swap3A_109 = arith.constant 0 : index
    %swap3A_110 = arith.constant 0 : index
    %swap3A_111 = vector.load %arg9[%swap3A_109, %swap3A_110] : memref<1x8xf32, #tpu.memory_space<vmem>>, vector<1x8xf32>
    tpu.vector_store %arg9[%swap3A_109, %swap3A_110], %add3A_108 {strides = array<i32>} : memref<1x8xf32, #tpu.memory_space<vmem>>, vector<1x8xf32>,
    %get3A_112 = arith.constant 0 : index
    %get3A_113 = arith.constant 0 : index
    %get3A_114 = vector.load %arg10[%get3A_112, %get3A_113] : memref<1x8xf32, #tpu.memory_space<vmem>>, vector<1x8xf32>
    %reduce_sum3A_115 = arith.constant dense<0.000000e+00> : vector<8xf32>
    %reduce_sum3A_116 = vector.multi_reduction <add>, %div3A_18, %reduce_sum3A_115 [0] : vector<512x8xf32> to vector<8xf32>
    %broadcast_in_dim3A_117 = vector.shape_cast %reduce_sum3A_116 : vector<8xf32> to vector<1x8xf32>
    %add3A_118 = arith.addf %get3A_114, %broadcast_in_dim3A_117 : vector<1x8xf32>
    %swap3A_119 = arith.constant 0 : index
    %swap3A_120 = arith.constant 0 : index
    %swap3A_121 = vector.load %arg10[%swap3A_119, %swap3A_120] : memref<1x8xf32, #tpu.memory_space<vmem>>, vector<1x8xf32>
    tpu.vector_store %arg10[%swap3A_119, %swap3A_120], %add3A_118 {strides = array<i32>} : memref<1x8xf32, #tpu.memory_space<vmem>>, vector<1x8xf32>,
    %eq3A_122 = arith.constant 7 : i32
    %eq3A_123 = arith.cmpi eq, %arg0, %eq3A_122 : i32
    %convert_element_type3A_124 = arith.extui %eq3A_123 : i1 to i32
    %cond3A_125 = arith.constant 0 : i32
    %cond3A_126 = arith.cmpi ne, %convert_element_type3A_124, %cond3A_125 : i32
    scf.if %cond3A_126 {
      %get3A_127 = arith.constant 0 : index
      %get3A_128 = arith.constant 0 : index
      %get3A_129 = vector.load %arg10[%get3A_127, %get3A_128] : memref<1x8xf32, #tpu.memory_space<vmem>>, vector<1x8xf32>
      %get3A_130 = arith.constant 0 : index
      %get3A_131 = arith.constant 0 : index
      %get3A_132 = vector.load %arg9[%get3A_130, %get3A_131] : memref<1x8xf32, #tpu.memory_space<vmem>>, vector<1x8xf32>
      %mul3A_133 = arith.mulf %get3A_129, %get3A_132 : vector<1x8xf32>
      %reduce_sum3A_134 = arith.constant dense<0.000000e+00> : vector<1xf32>
      %reduce_sum3A_135 = vector.multi_reduction <add>, %mul3A_133, %reduce_sum3A_134 [1] : vector<1x8xf32> to vector<1xf32>
      %broadcast_in_dim3A_136 = vector.shape_cast %reduce_sum3A_135 : vector<1xf32> to vector<1x1xf32>
      %mul3A_137 = arith.constant 4.76837158E-7 : f32
      %mul3A_138 = vector.broadcast %mul3A_137 : f32 to vector<1x1xf32>
      %mul3A_139 = arith.mulf %broadcast_in_dim3A_136, %mul3A_138 : vector<1x1xf32>
      %swap3A_140 = arith.constant 0 : index
      %swap3A_141 = arith.constant 0 : index
      %swap3A_142 = vector.load %arg7[%swap3A_140, %swap3A_141] : memref<1x1xf32, #tpu.memory_space<vmem>>, vector<1x1xf32>
      tpu.vector_store %arg7[%swap3A_140, %swap3A_141], %mul3A_139 {strides = array<i32>} : memref<1x1xf32, #tpu.memory_space<vmem>>, vector<1x1xf32>,
      %get3A_143 = arith.constant 0 : index
      %get3A_144 = arith.constant 0 : index
      %get3A_145 = vector.load %arg9[%get3A_143, %get3A_144] : memref<1x8xf32, #tpu.memory_space<vmem>>, vector<1x8xf32>
      %min3A = arith.constant 6.400000e+02 : f32
      %min3A_146 = vector.broadcast %min3A : f32 to vector<1x8xf32>
      %min3A_147 = arith.minimumf %get3A_145, %min3A_146 : vector<1x8xf32>
      %convert_element_type3A_148 = arith.fptosi %min3A_147 : vector<1x8xf32> to vector<1x8xi32>
      %swap3A_149 = arith.constant 0 : index
      %swap3A_150 = arith.constant 0 : index
      %swap3A_151 = vector.load %arg8[%swap3A_149, %swap3A_150] : memref<1x8xi32, #tpu.memory_space<vmem>>, vector<1x8xi32>
      tpu.vector_store %arg8[%swap3A_149, %swap3A_150], %convert_element_type3A_148 {strides = array<i32>} : memref<1x8xi32, #tpu.memory_space<vmem>>, vector<1x8xi32>,
    } else {
    }
    return
  }
  func.func @transform_0(%arg0: i32) -> (i32, i32) {
    %c0_i32 = arith.constant 0 : i32
    %c0_i32_0 = arith.constant 0 : i32
    return %arg0, %c0_i32 : i32, i32
  }
  func.func @transform_1(%arg0: i32) -> (i32, i32) {
    %c0_i32 = arith.constant 0 : i32
    %c0_i32_0 = arith.constant 0 : i32
    %c0_i32_1 = arith.constant 0 : i32
    return %c0_i32, %c0_i32_0 : i32, i32
  }
  func.func @transform_2(%arg0: i32) -> (i32, i32) {
    %c0_i32 = arith.constant 0 : i32
    %c0_i32_0 = arith.constant 0 : i32
    %c0_i32_1 = arith.constant 0 : i32
    return %c0_i32, %c0_i32_0 : i32, i32
  }
  func.func @transform_3(%arg0: i32) -> (i32, i32) {
    %c0_i32 = arith.constant 0 : i32
    %c0_i32_0 = arith.constant 0 : i32
    return %arg0, %c0_i32 : i32, i32
  }
  func.func @transform_4(%arg0: i32) -> (i32, i32) {
    %c0_i32 = arith.constant 0 : i32
    %c0_i32_0 = arith.constant 0 : i32
    return %arg0, %c0_i32 : i32, i32
  }
  func.func @transform_5(%arg0: i32) -> (i32, i32) {
    %c0_i32 = arith.constant 0 : i32
    %c0_i32_0 = arith.constant 0 : i32
    return %arg0, %c0_i32 : i32, i32
  }
  func.func @transform_6(%arg0: i32) -> (i32, i32) {
    %c0_i32 = arith.constant 0 : i32
    %c0_i32_0 = arith.constant 0 : i32
    %c0_i32_1 = arith.constant 0 : i32
    return %c0_i32, %c0_i32_0 : i32, i32
  }
  func.func @transform_7(%arg0: i32) -> (i32, i32) {
    %c0_i32 = arith.constant 0 : i32
    %c0_i32_0 = arith.constant 0 : i32
    %c0_i32_1 = arith.constant 0 : i32
    return %c0_i32, %c0_i32_0 : i32, i32
  }
}

</mosaic_0001>

<sc_bundles>
// kernel: kernel.6.cloned.1.call-start
scs
__scs_entry_jumppad:
0x0: {  	(pc) =	sbr.rel $0x88, $3  }
0x1: {  	(tag) =	ssettag $0x0;
	lr =	simm.s32 $0x1  }
0x2: {  	[smem:$0x3F9A] =	sst lr;
	_ =	strace $0xD0000000  }
0x3: {  	_ = 	snop  }
0x4: {  	_ = 	snop  }
0x5: {  	_ = 	snop  }
0x6: {  	_ = 	snop  }
0x7: {  	_ = 	snop  }
__scs_overlays_trampoline_lowered:
0x8: {  	[smem:$0x3FA9] =	sst s0  }
0x9: {  	[smem:$0x3FAA] =	sst s1  }
0xa: {  	[smem:$0x3FAB] =	sst s2  }
0xb: {  	[smem:$0x3FAC] =	sst s3  }
0xc: {  	[smem:$0x3FAD] =	sst s4  }
0xd: {  	[smem:$0x3FAE] =	sst s5  }
0xe: {  	[smem:$0x3FAF] =	sst s6  }
0xf: {  	[smem:$0x3FB0] =	sst s7  }
0x10: {  	[smem:$0x3FB1] =	sst s8  }
0x11: {  	[smem:$0x3FB2] =	sst s9;
	s0 =	simm.s32 @!p0 $0x0  }
0x12: {  	s1 =	sld [smem:$0x3F98];
	s0 =	simm.s32 @p0 $0x1  }
0x13: {  	[smem:$0x3FB3] =	sst s0;
	s0 =	simm.s32 @!p1 $0x0  }
0x14: {  	s2 =	sld [smem:$0x3F97];
	s0 =	simm.s32 @p1 $0x1  }
0x15: {  	[smem:$0x3FB4] =	sst s0;
	s0 =	simm.s32 @!p2 $0x0  }
0x16: {  	s3 =	sld [smem:$0x3FDB];
	s0 =	simm.s32 @p2 $0x1  }
0x17: {  	s4 =	simm.s32 $0x1BF5;
	[smem:$0x3FB6] =	sst s0  }
0x18: {  	s0 =	sld [smem:$0x3F99];
	_ =	swait.ge [sflag:s4], $0x0  }
0x19: {  	s7 =	sld [smem:$0x3F9A]  }
0x1a: {  	s8 =	sadd.s32 $0xFFFFE003, lr  }
0x1b: {  	s9 =	sadd.s32 $0xFFFFFEF7, lr;
	s5 =	simm.s32 $0xFFFFFFFF;
	p2 =	slt.u32 s8, $0xFFFFF086  }
0x1c: {  	p1 =	slt.u32 s9, $0xF7A;
	s5 =	simm.s32 @!p2 $0x0  }
0x1d: {  	s5 =	simm.s32 @p1 $0x1;
	p0 =	seq.s32 s7, s2  }
0x1e: {  	s7 =	smul.u32 @!p0 $0xF7A, s2;
	p2 =	seq.s32 @!p0 s5, $0x0  }
0x1f: {  	s9 =	smul.u32 $0xF7A, s1;
	s8 =	simm.s32 @!p0 $0x1BF5;
	p2 =	por !p2, p0  }
0x20: {  	[sflag:s8] =	ssyncset.s32 @!p0 $0xFFFFF086;
	s6 =	sadd.s32 @!p0 s3, s7;
	s7 =	simm.s32 @!p0 $0x108  }
0x21: {  	s3 =	sadd.s32 s3, s9;
	s6 =	sadd.s32 @!p0 $0x88, s6;
	s7 =	simm.s32 @p2 $0x1082  }
0x22: {  	[simem:s7], [sflag:s8] =	dma.local @!p0 [hbm:s6], $0xF7A  }
0x23: {  	s9 =	sor.u32 $0xD0000000, s2;
	s6 =	simm.s32 $0x108;
	_ =	swait.ge @!p0 [sflag:s8], $0x0  }
0x24: {  	s3 =	sadd.s32 $0x88, s3;
	s6 =	simm.s32 @!p1 $0x1082;
	[sflag:s4] =	ssyncset.s32 $0xFFFFF086  }
0x25: {  	[simem:s6], [sflag:s4] =	dma.local [hbm:s3], $0xF7A  }
0x26: {  	[smem:$0x3F9A] =	sst s1;
	(tag) =	ssettag s2;
	_ =	strace s9  }
0x27: {  	s1 =	sld [smem:$0x3FAA]  }
0x28: {  	s2 =	sld [smem:$0x3FAB]  }
0x29: {  	s4 =	sld [smem:$0x3FAD]  }
0x2a: {  	p0 =	seq.s32 s5, $0x0;
	s5 =	sld [smem:$0x3FAE]  }
0x2b: {  	s6 =	sld [smem:$0x3FAF]  }
0x2c: {  	s7 =	sld [smem:$0x3FB0]  }
0x2d: {  	s3 =	simm.s32 $0x108;
	s8 =	sld [smem:$0x3FB1]  }
0x2e: {  	s3 =	simm.s32 @!p0 $0x1082;
	s9 =	sld [smem:$0x3FB2]  }
0x2f: {  	lr =	sadd.s32 s0, s3;
	s0 =	sld [smem:$0x3FA9]  }
0x30: {  	s3 =	sld [smem:$0x3FAC]  }
0x31: {  	[smem:$0x3FB5] =	sst s10  }
0x32: {  	s10 =	sld [smem:$0x3FB3];
	_ =	sdelay $0x3  }
0x33: {  	p0 =	seq.s32 s10, $0x1;
	s10 =	sld [smem:$0x3FB5];
	_ =	sdelay $0x3  }
0x34: {  	[smem:$0x3FB5] =	sst s10  }
0x35: {  	s10 =	sld [smem:$0x3FB4];
	_ =	sdelay $0x3  }
0x36: {  	p1 =	seq.s32 s10, $0x1;
	s10 =	sld [smem:$0x3FB5];
	_ =	sdelay $0x3  }
0x37: {  	[smem:$0x3FB5] =	sst s10  }
0x38: {  	s10 =	sld [smem:$0x3FB6]  }
0x39: {  	_ = 	snop;
	(pc) =	sbr.ind lr, $3  }
0x3a: {  	_ = 	snop  }
0x3b: {  	_ = 	snop  }
0x3c: {  	p2 =	seq.s32 s10, $0x1;
	s10 =	sld [smem:$0x3FB5]  }
0x3d: {  	_ =	shalt  }
0x3e: {  	_ =	shalt  }
0x3f: {  	_ =	shalt  }
0x40: {  	_ =	shalt  }
0x41: {  	_ =	shalt  }
0x42: {  	_ =	shalt  }
0x43: {  	_ =	shalt  }
0x44: {  	_ =	shalt  }
0x45: {  	_ =	shalt  }
0x46: {  	_ =	shalt  }
0x47: {  	_ =	shalt  }
0x48: {  	_ =	shalt  }
0x49: {  	_ =	shalt  }
0x4a: {  	_ =	shalt  }
0x4b: {  	_ =	shalt  }
0x4c: {  	_ =	shalt  }
0x4d: {  	_ =	shalt  }
0x4e: {  	_ =	shalt  }
0x4f: {  	_ =	shalt  }
0x50: {  	_ =	shalt  }
0x51: {  	_ =	shalt  }
0x52: {  	_ =	shalt  }
0x53: {  	_ =	shalt  }
0x54: {  	_ =	shalt  }
0x55: {  	_ =	shalt  }
0x56: {  	_ =	shalt  }
0x57: {  	_ =	shalt  }
0x58: {  	_ =	shalt  }
0x59: {  	_ =	shalt  }
0x5a: {  	_ =	shalt  }
0x5b: {  	_ =	shalt  }
0x5c: {  	_ =	shalt  }
0x5d: {  	_ =	shalt  }
0x5e: {  	_ =	shalt  }
0x5f: {  	_ =	shalt  }
0x60: {  	_ =	shalt  }
0x61: {  	_ =	shalt  }
0x62: {  	_ =	shalt  }
0x63: {  	_ =	shalt  }
0x64: {  	_ =	shalt  }
0x65: {  	_ =	shalt  }
0x66: {  	_ =	shalt  }
0x67: {  	_ =	shalt  }
0x68: {  	_ =	shalt  }
0x69: {  	_ =	shalt  }
0x6a: {  	_ =	shalt  }
0x6b: {  	_ =	shalt  }
0x6c: {  	_ =	shalt  }
0x6d: {  	_ =	shalt  }
0x6e: {  	_ =	shalt  }
0x6f: {  	_ =	shalt  }
0x70: {  	_ =	shalt  }
0x71: {  	_ =	shalt  }
0x72: {  	_ =	shalt  }
0x73: {  	_ =	shalt  }
0x74: {  	_ =	shalt  }
0x75: {  	_ =	shalt  }
0x76: {  	_ =	shalt  }
0x77: {  	_ =	shalt  }
0x78: {  	_ =	shalt  }
0x79: {  	_ =	shalt  }
0x7a: {  	_ =	shalt  }
0x7b: {  	_ =	shalt  }
0x7c: {  	_ =	shalt  }
0x7d: {  	_ =	shalt  }
0x7e: {  	_ =	shalt  }
0x7f: {  	_ =	shalt  }
0x80: {  	_ =	shalt  }
0x81: {  	_ =	shalt  }
0x82: {  	_ =	shalt  }
0x83: {  	_ =	shalt  }
0x84: {  	_ =	shalt  }
0x85: {  	_ =	shalt  }
0x86: {  	_ =	shalt  }
0x87: {  	_ =	shalt  }
.Lfunc_end0:
.L_simem_size_0:
called_computation_lowered:
.L_overlay_start_0:
0x88: {  	s2 =	sld [smem:$0x3FD9]  }
0x89: {  	s3 =	sld [smem:$0x3FFE];
	_ =	sdelay $0x1  }
0x8a: {  	s1 =	srdreg.scid  }
0x8b: {  	s0 =	sand.u32 $0x1, s1  }
0x8c: {  	s14 =	sshll.u32 s0, $0xA;
	s2 =	sadd.s32 s3, s2  }
0x8d: {  	s2 =	sadd.s32 s2, s14  }
0x8e: {  	[smem:$0x3FC1] =	sst s2  }
0x8f: {  	_ = 	snop  }
0x90: {  	s2 =	sld [smem:$0x3FD0];
	_ =	sdelay $0x2  }
0x91: {  	s4 =	simm.s32 $0xA;
	s5 =	simm.s32 $0x10;
	s15 =	sld [smem:$0x3FC9]  }
0x92: {  	[smem:s5], [sflag:s4] =	dma.local [hbm:s2], $0x1  }
0x93: {  	_ =	swait.eq [sflag:s4], $0x1  }
0x94: {  	[sflag:s4] =	ssyncset.done $0x0  }
0x95: {  	[sflag:s4] =	ssyncadd.s32 $0xFFFFFFFF  }
0x96: {  	s16 =	sld [smem:$0x10];
	(tm) =	ssettm $0x1  }
0x97: {  	s17 =	sld [smem:$0x3FFB];
	_ =	sdelay $0x3  }
0x98: {  	_ =	strace s17  }
0x99: {  	s4 =	sld [smem:$0x3FFC];
	_ =	sdelay $0x3  }
0x9a: {  	_ =	strace s4  }
0x9b: {  	s4 =	sld [smem:$0x3FFD];
	_ =	sdelay $0x3  }
0x9c: {  	_ =	strace s4  }
0x9d: {  	_ =	strace $0x8FFFFFFF  }
0x9e: {  	s18 =	sld [smem:$0x3FDB];
	_ =	sdelay $0x1  }
0x9f: {  	s19 =	simm.s32 $_scs_section_size  }
0xa0: {  	s6 =	simm.s32 $_size__tile_overlayer_lowered;
	s7 =	simm.s32 $_tile_overlayer_lowered  }
0xa1: {  	s22 =	simm.s32 $0x1BFF;
	s21 =	sshll.u32 s7, $0x1;
	s4 =	sadd.s32 s19, s18  }
0xa2: {  	s8 =	simm.s32 $0x0;
	s20 =	sshll.u32 s6, $0x1;
	s6 =	sadd.s32 s21, s4  }
0xa3: {  	[timem:s8], [sflag:s22] =	dma.local [hbm:s6], s20  }
0xa4: {  	_ =	swait.ge [sflag:s22], s20  }
0xa5: {  	s5 =	ssub.s32 $0x0, s20;
	[sflag:s22] =	ssyncset.done $0x0  }
0xa6: {  	[sflag:s22] =	ssyncadd.s32 s5;
	_ =	sdelay $0x1  }
0xa7: {  	s23 =	simm.s32 $0x1B8B  }
0xa8: {  	_ =	swait.ge [sflag:s23], $0x1  }
0xa9: {  	[sflag:s23] =	ssyncset.done $0x0  }
0xaa: {  	s25 =	simm.s32 $0x1B8E;
	s24 =	sld [smem:$0x3FFE];
	[sflag:s23] =	ssyncadd.s32 $0xFFFFFFFF  }
0xab: {  	s26 =	simm.s32 $execute0_lowered;
	[smem:$0x3FD2] =	sst s25  }
0xac: {  	s6 =	sshll.u32 s26, $0x1;
	_ =	strace $0x80000046;
	[dreg:$0x1] =	wrdreg $0xFFFFFFFF  }
0xad: {  	s28 =	simm.s32 $_size_execute0_lowered;
	s4 =	sadd.s32 s4, s6;
	[dreg:$0x0] =	wrdreg $0x0  }
0xae: {  	s6 =	sshll.u32 s28, $0x1;
	[dreg:$0x2] =	wrdreg s4  }
0xaf: {  	[dreg:$0x3] =	wrdreg s6  }
0xb0: {  	[dreg:$0x4] =	wrdreg $0xC0  }
0xb1: {  	_ =	task [dreg:s8], $0x5FFFF  }
0xb2: {  	[dreg:$0x1] =	wrdreg $0xFFFFFFFF  }
0xb3: {  	[dreg:$0x0] =	wrdreg $0x60  }
0xb4: {  	[dreg:$0x2] =	wrdreg s15  }
0xb5: {  	[dreg:$0x3] =	wrdreg s24  }
0xb6: {  	[dreg:$0x4] =	wrdreg s16  }
0xb7: {  	[dreg:$0x5] =	wrdreg $0x9  }
0xb8: {  	_ =	task.clear_ibuf [dreg:s8], $0x6FFFF;
	_ =	strace $0x90000046  }
0xb9: {  	s29 =	simm.s32 $0x9;
	_ =	strace $0x80000048  }
0xba: {  	_ =	swait.ge [sflag:s29], $0x1  }
0xbb: {  	[sflag:s29] =	ssyncadd.s32 $0xFFFFFFFF  }
0xbc: {  	_ =	strace $0x90000048  }
0xbd: {  	_ =	sfence  }
0xbe: {  	s30 =	sld [smem:$0x0];
	_ =	sdelay $0x2  }
0xbf: {  	s31 =	sshll.u32 s1, $0xD;
	s1 =	sshrl.u32 s1, $0x2  }
0xc0: {  	s3 =	sand.u32 $0x4000, s31;
	s1 =	sadd.s32 s1, s30  }
0xc1: {  	s0 =	sor.u32 s3, s0;
	s1 =	sshll.u32 s1, $0x11  }
0xc2: {  	s0 =	sor.u32 s1, s0  }
0xc3: {  	s0 =	sadd.s32 $0x8F2B, s0  }
0xc4: {  	[sflag:s0] =	ssyncadd.remote.s32 $0x1  }
0xc5: {  	_ =	sfence.sel $0xFFFF  }
0xc6: {  	[dreg:$0x0] =	wrdreg $0xFFFFFFFF;
	(pc) =	sbr.abs _section_cstart, $3  }
0xc7: {  	[dreg:$0x1] =	wrdreg $0xFFFFFFFF  }
0xc8: {  	_ =	task.clear_ibuf [dreg:s8], $0x2FFFF;
	_ =	strace $0x9FFFFFFF  }
0xc9: {  	(tm) =	ssettm $0x7FFFFFFF  }
tec
execute0_lowered:
.L_overlay_start_1:
0x0: {  	(tag) =	ssettag $0x1  }
0x1: {  	s0 =	rddreg [dreg:$0x0]  }
0x2: {  	s1 =	rddreg [dreg:$0x1]  }
0x3: {  	s3 =	simm.s32 $0x0;
	s2 =	srdreg.scid;
	s4 =	stileid.u32  }
0x4: {  	s15 =	simm.s32 $0x1;
	s18 =	simm.s32 $0x100;
	s16 =	simm.s32 $0x1900  }
0x5: {  	s28 =	simm.s32 $0x4100;
	s29 =	simm.s32 $0x4900;
	s30 =	simm.s32 $0x5100  }
0x6: {  	s31 =	simm.s32 $0x5900;
	s20 =	simm.s32 $0x7100;
	s19 =	simm.s32 $0x7900  }
0x7: {  	s14 =	simm.s32 $0xB100;
	[smem:$0x7FF] =	sst s3;
	s2 =	sand.u32 $0x1, s2  }
0x8: {  	s4 =	sshll.u32 s4, $0x1;
	s7 =	sadd.s32 $0x2000, s1;
	s22 =	sadd.s32 $0xB2800, s1  }
0x9: {  	s9 =	sadd.s32 $0x12A00, s1;
	_ =	strace $0x80000047;
	s5 =	sor.u32 s2, s4  }
0xa: {  	s2 =	ssub.s32 $0x2, s2;
	[dreg:$0x6] =	wrdreg s22;
	s26 =	sadd.s32 $0x80, s22  }
0xb: {  	s22 =	simm.s32 $0x0;
	s4 =	sshll.u32 s5, $0x5;
	s8 =	sshrl.u32 s2, $0x1  }
0xc: {  	s21 =	sshll.u32 s5, $0xE;
	s10 =	sshll.u32 s5, $0x4;
	s23 =	sshll.u32 s5, $0xB  }
0xd: {  	p0 =	sne.s32 s5, $0x0;
	[dreg:$0x4] =	wrdreg s26;
	s26 =	simm.s32 $0xC100  }
0xe: {  	s6 =	sadd.s32 s4, s1;
	s4 =	sadd.s32 $0x12800, s1;
	s2 =	ssub.s32 s2, s8  }
0xf: {  	s8 =	sadd.s32 s0, s21;
	s11 =	sor.u32 $0x8, s10;
	s10 =	sadd.s32 $0x12B00, s1  }
0x10: {  	s21 =	simm.s32 $0x900;
	s6 =	sadd.s32 $0x12000, s6;
	[dreg:$0x8] =	wrdreg s8  }
0x11: {  	s8 =	sadd.s32 $0x12900, s1;
	s12 =	sshll.u32 s11, $0xA;
	s1 =	sadd.s32 s7, s23  }
.Ltmp0:
0x12: {  	s24 =	sshll.u32 s11, $0x7;
	[dreg:$0x5] =	wrdreg s6;
	(pc) =	sbr.rel .LBB2_1-.Ltmp0, $4  }
0x13: {  	s25 =	smax.u32 s2, $0x1;
	s23 =	simm.s32 $0x1100;
	[dreg:$0xa] =	wrdreg s1  }
0x14: {  	v3 =	vlaneseq.u32;
	s11 =	simm.s32 $0x9100;
	s0 =	sadd.s32 s0, s12;
	[dreg:$0xb] =	wrdreg s25  }
0x15: {  	v0 =	vimm.f32 $0.0e+00;
	vm0 =	vmmov $0xffff;
	v2 =	vshrl.u32 v3, $0x3;
	s6 =	simm.s32 $0xA100;
	[dreg:$0x7] =	wrdreg s0;
	s0 =	sadd.s32 s7, s24  }
0x16: {  	v1 =	vand.u32 $0x7, v3;
	v3 =	vor.u32 $0x8, v3;
	v2 =	vmul.u32 $0x8, v2;
	s25 =	simm.s32 $0xB900;
	s7 =	simm.s32 $0x8100;
	[dreg:$0x9] =	wrdreg s0  }
.LBB2_5:
0x17: {  	s16 =	simm.s32 $0x100;
	s0 =	rddreg [dreg:$0x8]  }
0x18: {  	[tilespmem:s16], [sflag:$0x1] =	stream.linear.gather [hbm4b:s0+s3], $0x10000, $0x38;
	[tilespmem:$0x12100] =	vst v63  }
0x19: {  	_ =	swait.ge [sflag:s15], $0x10000  }
0x1a: {  	[sflag:s15] =	ssyncset.done $0x0  }
0x1b: {  	[sflag:s15] =	ssyncadd.s32 $0xFFFF0000  }
0x1c: {  	v4 =	vld [tilespmem:$0x0];
	_ =	sdelay $0x4  }
0x1d: {  	v5 =	vshll.u32 v4, $0x3  }
0x1e: {  	v4 =	vand.u32 $0x7, v4;
	v5 =	vand.u32 $0xFFFFFFC0, v5  }
0x1f: {  	v4 =	vor.u32 v4, v5  }
0x20: {  	v5 =	vperm.xlane v4, v1;
	_ =	sdelay $0x1  }
0x21: {  	v5 =	vadd.s32 v2, v5;
	_ =	sdelay $0x4  }
0x22: {  	[hbm4b:s4+s3] =	stream.indirect_vreg.scatter [tilespmem:s16], [sflag:$0x1], $0x80, v5, vm0, $0xb8;
	[tilespmem:$0x12100] =	vst v63  }
0x23: {  	s23 =	simm.s32 $0x900;
	v4 =	vperm.xlane v4, v3  }
0x24: {  	[hbm4b:s8+s3] =	stream.indirect_vreg.scatter [tilespmem:s23], [sflag:$0x1], $0x80, v5, vm0, $0xb8;
	[tilespmem:$0x12100] =	vst v63  }
0x25: {  	s24 =	simm.s32 $0x1100;
	v4 =	vadd.s32 v2, v4  }
0x26: {  	[hbm4b:s9+s3] =	stream.indirect_vreg.scatter [tilespmem:s24], [sflag:$0x1], $0x80, v5, vm0, $0xb8;
	[tilespmem:$0x12100] =	vst v63  }
0x27: {  	s12 =	simm.s32 $0x1900  }
0x28: {  	[hbm4b:s10+s3] =	stream.indirect_vreg.scatter [tilespmem:s12], [sflag:$0x1], $0x80, v5, vm0, $0xb8;
	[tilespmem:$0x12100] =	vst v63  }
0x29: {  	s2 =	simm.s32 $0x2100  }
0x2a: {  	[hbm4b:s4+s3] =	stream.indirect_vreg.scatter [tilespmem:s2], [sflag:$0x1], $0x80, v4, vm0, $0xb8;
	[tilespmem:$0x12100] =	vst v63  }
0x2b: {  	s5 =	simm.s32 $0x2900  }
0x2c: {  	[hbm4b:s8+s3] =	stream.indirect_vreg.scatter [tilespmem:s5], [sflag:$0x1], $0x80, v4, vm0, $0xb8;
	[tilespmem:$0x12100] =	vst v63  }
0x2d: {  	s13 =	simm.s32 $0x3100  }
0x2e: {  	[hbm4b:s9+s3] =	stream.indirect_vreg.scatter [tilespmem:s13], [sflag:$0x1], $0x80, v4, vm0, $0xb8;
	[tilespmem:$0x12100] =	vst v63  }
0x2f: {  	s17 =	simm.s32 $0x3900  }
0x30: {  	[hbm4b:s10+s3] =	stream.indirect_vreg.scatter [tilespmem:s17], [sflag:$0x1], $0x80, v4, vm0, $0xb8;
	[tilespmem:$0x12100] =	vst v63  }
0x31: {  	v4 =	vld [tilespmem:$0x10];
	_ =	sdelay $0x4  }
0x32: {  	v5 =	vshll.u32 v4, $0x3  }
0x33: {  	v4 =	vand.u32 $0x7, v4;
	v5 =	vand.u32 $0xFFFFFFC0, v5  }
0x34: {  	v4 =	vor.u32 v4, v5  }
0x35: {  	v5 =	vperm.xlane v4, v1;
	_ =	sdelay $0x1  }
0x36: {  	v5 =	vadd.s32 v2, v5;
	_ =	sdelay $0x4  }
0x37: {  	[hbm4b:s4+s3] =	stream.indirect_vreg.scatter [tilespmem:s28], [sflag:$0x1], $0x80, v5, vm0, $0xb8;
	[tilespmem:$0x12100] =	vst v63  }
0x38: {  	v4 =	vperm.xlane v4, v3  }
0x39: {  	[hbm4b:s8+s3] =	stream.indirect_vreg.scatter [tilespmem:s29], [sflag:$0x1], $0x80, v5, vm0, $0xb8;
	[tilespmem:$0x12100] =	vst v63  }
0x3a: {  	v4 =	vadd.s32 v2, v4  }
0x3b: {  	[hbm4b:s9+s3] =	stream.indirect_vreg.scatter [tilespmem:s30], [sflag:$0x1], $0x80, v5, vm0, $0xb8;
	[tilespmem:$0x12100] =	vst v63  }
0x3c: {  	_ = 	snop  }
0x3d: {  	[hbm4b:s10+s3] =	stream.indirect_vreg.scatter [tilespmem:s31], [sflag:$0x1], $0x80, v5, vm0, $0xb8;
	[tilespmem:$0x12100] =	vst v63  }
0x3e: {  	s0 =	simm.s32 $0x6100  }
0x3f: {  	[hbm4b:s4+s3] =	stream.indirect_vreg.scatter [tilespmem:s0], [sflag:$0x1], $0x80, v4, vm0, $0xb8;
	[tilespmem:$0x12100] =	vst v63  }
0x40: {  	s1 =	simm.s32 $0x6900  }
0x41: {  	[hbm4b:s8+s3] =	stream.indirect_vreg.scatter [tilespmem:s1], [sflag:$0x1], $0x80, v4, vm0, $0xb8;
	[tilespmem:$0x12100] =	vst v63  }
0x42: {  	_ = 	snop  }
0x43: {  	[hbm4b:s9+s3] =	stream.indirect_vreg.scatter [tilespmem:s20], [sflag:$0x1], $0x80, v4, vm0, $0xb8;
	[tilespmem:$0x12100] =	vst v63  }
0x44: {  	_ = 	snop  }
0x45: {  	[hbm4b:s10+s3] =	stream.indirect_vreg.scatter [tilespmem:s19], [sflag:$0x1], $0x80, v4, vm0, $0xb8;
	[tilespmem:$0x12100] =	vst v63  }
0x46: {  	v4 =	vld [tilespmem:$0x20];
	_ =	sdelay $0x4  }
0x47: {  	v5 =	vshll.u32 v4, $0x3  }
0x48: {  	v4 =	vand.u32 $0x7, v4;
	v5 =	vand.u32 $0xFFFFFFC0, v5  }
0x49: {  	v4 =	vor.u32 v4, v5  }
0x4a: {  	v5 =	vperm.xlane v4, v1;
	_ =	sdelay $0x1  }
0x4b: {  	v5 =	vadd.s32 v2, v5;
	_ =	sdelay $0x4  }
0x4c: {  	[hbm4b:s4+s3] =	stream.indirect_vreg.scatter [tilespmem:s7], [sflag:$0x1], $0x80, v5, vm0, $0xb8;
	[tilespmem:$0x12100] =	vst v63  }
0x4d: {  	s2 =	simm.s32 $0x8900;
	v4 =	vperm.xlane v4, v3  }
0x4e: {  	[hbm4b:s8+s3] =	stream.indirect_vreg.scatter [tilespmem:s2], [sflag:$0x1], $0x80, v5, vm0, $0xb8;
	[tilespmem:$0x12100] =	vst v63  }
0x4f: {  	v4 =	vadd.s32 v2, v4  }
0x50: {  	[hbm4b:s9+s3] =	stream.indirect_vreg.scatter [tilespmem:s11], [sflag:$0x1], $0x80, v5, vm0, $0xb8;
	[tilespmem:$0x12100] =	vst v63  }
0x51: {  	s5 =	simm.s32 $0x9900  }
0x52: {  	[hbm4b:s10+s3] =	stream.indirect_vreg.scatter [tilespmem:s5], [sflag:$0x1], $0x80, v5, vm0, $0xb8;
	[tilespmem:$0x12100] =	vst v63  }
0x53: {  	_ = 	snop  }
0x54: {  	[hbm4b:s4+s3] =	stream.indirect_vreg.scatter [tilespmem:s6], [sflag:$0x1], $0x80, v4, vm0, $0xb8;
	[tilespmem:$0x12100] =	vst v63  }
0x55: {  	s17 =	simm.s32 $0xA900  }
0x56: {  	[hbm4b:s8+s3] =	stream.indirect_vreg.scatter [tilespmem:s17], [sflag:$0x1], $0x80, v4, vm0, $0xb8;
	[tilespmem:$0x12100] =	vst v63  }
0x57: {  	_ = 	snop  }
0x58: {  	[hbm4b:s9+s3] =	stream.indirect_vreg.scatter [tilespmem:s14], [sflag:$0x1], $0x80, v4, vm0, $0xb8;
	[tilespmem:$0x12100] =	vst v63  }
0x59: {  	_ = 	snop  }
0x5a: {  	[hbm4b:s10+s3] =	stream.indirect_vreg.scatter [tilespmem:s25], [sflag:$0x1], $0x80, v4, vm0, $0xb8;
	[tilespmem:$0x12100] =	vst v63  }
0x5b: {  	v4 =	vld [tilespmem:$0x30];
	_ =	sdelay $0x4  }
0x5c: {  	v5 =	vshll.u32 v4, $0x3  }
0x5d: {  	v4 =	vand.u32 $0x7, v4;
	v5 =	vand.u32 $0xFFFFFFC0, v5  }
0x5e: {  	v4 =	vor.u32 v4, v5  }
0x5f: {  	v5 =	vperm.xlane v4, v1;
	_ =	sdelay $0x1  }
0x60: {  	v5 =	vadd.s32 v2, v5;
	_ =	sdelay $0x4  }
0x61: {  	[hbm4b:s4+s3] =	stream.indirect_vreg.scatter [tilespmem:s26], [sflag:$0x1], $0x80, v5, vm0, $0xb8;
	[tilespmem:$0x12100] =	vst v63  }
0x62: {  	s18 =	simm.s32 $0xC900;
	v4 =	vperm.xlane v4, v3  }
0x63: {  	[hbm4b:s8+s3] =	stream.indirect_vreg.scatter [tilespmem:s18], [sflag:$0x1], $0x80, v5, vm0, $0xb8;
	[tilespmem:$0x12100] =	vst v63  }
0x64: {  	s21 =	simm.s32 $0xD100;
	v4 =	vadd.s32 v2, v4  }
0x65: {  	[hbm4b:s9+s3] =	stream.indirect_vreg.scatter [tilespmem:s21], [sflag:$0x1], $0x80, v5, vm0, $0xb8;
	[tilespmem:$0x12100] =	vst v63  }
0x66: {  	s13 =	simm.s32 $0xD900  }
0x67: {  	[hbm4b:s10+s3] =	stream.indirect_vreg.scatter [tilespmem:s13], [sflag:$0x1], $0x80, v5, vm0, $0xb8;
	[tilespmem:$0x12100] =	vst v63  }
0x68: {  	s18 =	simm.s32 $0xE100  }
0x69: {  	[hbm4b:s4+s3] =	stream.indirect_vreg.scatter [tilespmem:s18], [sflag:$0x1], $0x80, v4, vm0, $0xb8;
	[tilespmem:$0x12100] =	vst v63  }
0x6a: {  	s21 =	simm.s32 $0xE900  }
0x6b: {  	[hbm4b:s8+s3] =	stream.indirect_vreg.scatter [tilespmem:s21], [sflag:$0x1], $0x80, v4, vm0, $0xb8;
	[tilespmem:$0x12100] =	vst v63  }
0x6c: {  	s13 =	simm.s32 $0xF100  }
0x6d: {  	[hbm4b:s9+s3] =	stream.indirect_vreg.scatter [tilespmem:s13], [sflag:$0x1], $0x80, v4, vm0, $0xb8;
	[tilespmem:$0x12100] =	vst v63  }
0x6e: {  	s18 =	simm.s32 $0xF900  }
0x6f: {  	[hbm4b:s10+s3] =	stream.indirect_vreg.scatter [tilespmem:s18], [sflag:$0x1], $0x80, v4, vm0, $0xb8;
	[tilespmem:$0x12100] =	vst v63  }
0x70: {  	_ =	swait.ge [sflag:s15], $0x10000  }
0x71: {  	[sflag:s15] =	ssyncset.done $0x0  }
0x72: {  	s1 =	simm.s32 $0x10100;
	s13 =	rddreg [dreg:$0xa];
	[sflag:s15] =	ssyncadd.s32 $0xFFFF0000  }
0x73: {  	[tilespmem:s1], [sflag:$0x1] =	stream.linear.gather [hbm4b:s13+s3], $0x2000, $0x38;
	[tilespmem:$0x12100] =	vst v63  }
0x74: {  	_ =	swait.ge [sflag:s15], $0x2000  }
0x75: {  	[sflag:s15] =	ssyncset.done $0x0  }
0x76: {  	[sflag:s15] =	ssyncadd.s32 $0xFFFFE000  }
0x77: {  	s18 =	simm.s32 $0x40;
	s13 =	rddreg [dreg:$0x2]  }
0x78: {  	[hbm4b:s13+s18] =	stream.indirect.scatter [tilespmem:s1], [sflag:$0x1], $0x80, s3, s18, $0xb8;
	[tilespmem:$0x12100] =	vst v63  }
0x79: {  	_ =	swait.ge [sflag:s15], $0x2000  }
0x7a: {  	[sflag:s15] =	ssyncset.done $0x0  }
0x7b: {  	s21 =	rddreg [dreg:$0x7];
	[sflag:s15] =	ssyncadd.s32 $0xFFFFE000  }
0x7c: {  	[tilespmem:s16], [sflag:$0x1] =	stream.linear.gather [hbm4b:s21+s3], $0x10000, $0x38;
	[tilespmem:$0x12100] =	vst v63  }
0x7d: {  	_ =	swait.ge [sflag:s15], $0x10000  }
0x7e: {  	[sflag:s15] =	ssyncset.done $0x0  }
0x7f: {  	[sflag:s15] =	ssyncadd.s32 $0xFFFF0000  }
0x80: {  	v4 =	vld [tilespmem:$0x80];
	_ =	sdelay $0x4  }
0x81: {  	v5 =	vshll.u32 v4, $0x3  }
0x82: {  	v4 =	vand.u32 $0x7, v4;
	v5 =	vand.u32 $0xFFFFFFC0, v5  }
0x83: {  	v4 =	vor.u32 v4, v5  }
0x84: {  	v5 =	vperm.xlane v4, v1;
	_ =	sdelay $0x1  }
0x85: {  	v5 =	vadd.s32 v2, v5;
	_ =	sdelay $0x4  }
0x86: {  	[hbm4b:s4+s3] =	stream.indirect_vreg.scatter [tilespmem:s16], [sflag:$0x1], $0x80, v5, vm0, $0xb8;
	[tilespmem:$0x12100] =	vst v63  }
0x87: {  	v4 =	vperm.xlane v4, v3  }
0x88: {  	[hbm4b:s8+s3] =	stream.indirect_vreg.scatter [tilespmem:s23], [sflag:$0x1], $0x80, v5, vm0, $0xb8;
	[tilespmem:$0x12100] =	vst v63  }
0x89: {  	v4 =	vadd.s32 v2, v4  }
0x8a: {  	[hbm4b:s9+s3] =	stream.indirect_vreg.scatter [tilespmem:s24], [sflag:$0x1], $0x80, v5, vm0, $0xb8;
	[tilespmem:$0x12100] =	vst v63  }
0x8b: {  	_ = 	snop  }
0x8c: {  	[hbm4b:s10+s3] =	stream.indirect_vreg.scatter [tilespmem:s12], [sflag:$0x1], $0x80, v5, vm0, $0xb8;
	[tilespmem:$0x12100] =	vst v63  }
0x8d: {  	s24 =	simm.s32 $0x2100  }
0x8e: {  	[hbm4b:s4+s3] =	stream.indirect_vreg.scatter [tilespmem:s24], [sflag:$0x1], $0x80, v4, vm0, $0xb8;
	[tilespmem:$0x12100] =	vst v63  }
0x8f: {  	s24 =	simm.s32 $0x2900  }
0x90: {  	[hbm4b:s8+s3] =	stream.indirect_vreg.scatter [tilespmem:s24], [sflag:$0x1], $0x80, v4, vm0, $0xb8;
	[tilespmem:$0x12100] =	vst v63  }
0x91: {  	s24 =	simm.s32 $0x3100  }
0x92: {  	[hbm4b:s9+s3] =	stream.indirect_vreg.scatter [tilespmem:s24], [sflag:$0x1], $0x80, v4, vm0, $0xb8;
	[tilespmem:$0x12100] =	vst v63  }
0x93: {  	s24 =	simm.s32 $0x3900  }
0x94: {  	[hbm4b:s10+s3] =	stream.indirect_vreg.scatter [tilespmem:s24], [sflag:$0x1], $0x80, v4, vm0, $0xb8;
	[tilespmem:$0x12100] =	vst v63  }
0x95: {  	v4 =	vld [tilespmem:$0x90];
	_ =	sdelay $0x4  }
0x96: {  	v5 =	vshll.u32 v4, $0x3  }
0x97: {  	v4 =	vand.u32 $0x7, v4;
	v5 =	vand.u32 $0xFFFFFFC0, v5  }
0x98: {  	v4 =	vor.u32 v4, v5  }
0x99: {  	v5 =	vperm.xlane v4, v1;
	_ =	sdelay $0x1  }
0x9a: {  	v5 =	vadd.s32 v2, v5;
	_ =	sdelay $0x4  }
0x9b: {  	[hbm4b:s4+s3] =	stream.indirect_vreg.scatter [tilespmem:s28], [sflag:$0x1], $0x80, v5, vm0, $0xb8;
	[tilespmem:$0x12100] =	vst v63  }
0x9c: {  	v4 =	vperm.xlane v4, v3  }
0x9d: {  	[hbm4b:s8+s3] =	stream.indirect_vreg.scatter [tilespmem:s29], [sflag:$0x1], $0x80, v5, vm0, $0xb8;
	[tilespmem:$0x12100] =	vst v63  }
0x9e: {  	v4 =	vadd.s32 v2, v4  }
0x9f: {  	[hbm4b:s9+s3] =	stream.indirect_vreg.scatter [tilespmem:s30], [sflag:$0x1], $0x80, v5, vm0, $0xb8;
	[tilespmem:$0x12100] =	vst v63  }
0xa0: {  	_ = 	snop  }
0xa1: {  	[hbm4b:s10+s3] =	stream.indirect_vreg.scatter [tilespmem:s31], [sflag:$0x1], $0x80, v5, vm0, $0xb8;
	[tilespmem:$0x12100] =	vst v63  }
0xa2: {  	_ = 	snop  }
0xa3: {  	[hbm4b:s4+s3] =	stream.indirect_vreg.scatter [tilespmem:s0], [sflag:$0x1], $0x80, v4, vm0, $0xb8;
	[tilespmem:$0x12100] =	vst v63  }
0xa4: {  	s12 =	simm.s32 $0x6900  }
0xa5: {  	[hbm4b:s8+s3] =	stream.indirect_vreg.scatter [tilespmem:s12], [sflag:$0x1], $0x80, v4, vm0, $0xb8;
	[tilespmem:$0x12100] =	vst v63  }
0xa6: {  	_ = 	snop  }
0xa7: {  	[hbm4b:s9+s3] =	stream.indirect_vreg.scatter [tilespmem:s20], [sflag:$0x1], $0x80, v4, vm0, $0xb8;
	[tilespmem:$0x12100] =	vst v63  }
0xa8: {  	_ = 	snop  }
0xa9: {  	[hbm4b:s10+s3] =	stream.indirect_vreg.scatter [tilespmem:s19], [sflag:$0x1], $0x80, v4, vm0, $0xb8;
	[tilespmem:$0x12100] =	vst v63  }
0xaa: {  	v4 =	vld [tilespmem:$0xA0];
	_ =	sdelay $0x4  }
0xab: {  	v5 =	vshll.u32 v4, $0x3  }
0xac: {  	v4 =	vand.u32 $0x7, v4;
	v5 =	vand.u32 $0xFFFFFFC0, v5  }
0xad: {  	v4 =	vor.u32 v4, v5  }
0xae: {  	v5 =	vperm.xlane v4, v1;
	_ =	sdelay $0x1  }
0xaf: {  	v5 =	vadd.s32 v2, v5;
	_ =	sdelay $0x4  }
0xb0: {  	[hbm4b:s4+s3] =	stream.indirect_vreg.scatter [tilespmem:s7], [sflag:$0x1], $0x80, v5, vm0, $0xb8;
	[tilespmem:$0x12100] =	vst v63  }
0xb1: {  	v4 =	vperm.xlane v4, v3  }
0xb2: {  	[hbm4b:s8+s3] =	stream.indirect_vreg.scatter [tilespmem:s2], [sflag:$0x1], $0x80, v5, vm0, $0xb8;
	[tilespmem:$0x12100] =	vst v63  }
0xb3: {  	v4 =	vadd.s32 v2, v4  }
0xb4: {  	[hbm4b:s9+s3] =	stream.indirect_vreg.scatter [tilespmem:s11], [sflag:$0x1], $0x80, v5, vm0, $0xb8;
	[tilespmem:$0x12100] =	vst v63  }
0xb5: {  	_ = 	snop  }
0xb6: {  	[hbm4b:s10+s3] =	stream.indirect_vreg.scatter [tilespmem:s5], [sflag:$0x1], $0x80, v5, vm0, $0xb8;
	[tilespmem:$0x12100] =	vst v63  }
0xb7: {  	_ = 	snop  }
0xb8: {  	[hbm4b:s4+s3] =	stream.indirect_vreg.scatter [tilespmem:s6], [sflag:$0x1], $0x80, v4, vm0, $0xb8;
	[tilespmem:$0x12100] =	vst v63  }
0xb9: {  	_ = 	snop  }
0xba: {  	[hbm4b:s8+s3] =	stream.indirect_vreg.scatter [tilespmem:s17], [sflag:$0x1], $0x80, v4, vm0, $0xb8;
	[tilespmem:$0x12100] =	vst v63  }
0xbb: {  	_ = 	snop  }
0xbc: {  	[hbm4b:s9+s3] =	stream.indirect_vreg.scatter [tilespmem:s14], [sflag:$0x1], $0x80, v4, vm0, $0xb8;
	[tilespmem:$0x12100] =	vst v63  }
0xbd: {  	_ = 	snop  }
0xbe: {  	[hbm4b:s10+s3] =	stream.indirect_vreg.scatter [tilespmem:s25], [sflag:$0x1], $0x80, v4, vm0, $0xb8;
	[tilespmem:$0x12100] =	vst v63  }
0xbf: {  	v4 =	vld [tilespmem:$0xB0];
	_ =	sdelay $0x4  }
0xc0: {  	v5 =	vshll.u32 v4, $0x3  }
0xc1: {  	v4 =	vand.u32 $0x7, v4;
	v5 =	vand.u32 $0xFFFFFFC0, v5  }
0xc2: {  	v4 =	vor.u32 v4, v5  }
0xc3: {  	v5 =	vperm.xlane v4, v1;
	_ =	sdelay $0x1  }
0xc4: {  	v5 =	vadd.s32 v2, v5;
	_ =	sdelay $0x4  }
0xc5: {  	[hbm4b:s4+s3] =	stream.indirect_vreg.scatter [tilespmem:s26], [sflag:$0x1], $0x80, v5, vm0, $0xb8;
	[tilespmem:$0x12100] =	vst v63  }
0xc6: {  	s24 =	simm.s32 $0xC900;
	v4 =	vperm.xlane v4, v3  }
0xc7: {  	[hbm4b:s8+s3] =	stream.indirect_vreg.scatter [tilespmem:s24], [sflag:$0x1], $0x80, v5, vm0, $0xb8;
	[tilespmem:$0x12100] =	vst v63  }
0xc8: {  	s2 =	simm.s32 $0xD100;
	v4 =	vadd.s32 v2, v4  }
0xc9: {  	[hbm4b:s9+s3] =	stream.indirect_vreg.scatter [tilespmem:s2], [sflag:$0x1], $0x80, v5, vm0, $0xb8;
	[tilespmem:$0x12100] =	vst v63  }
0xca: {  	s5 =	simm.s32 $0xD900  }
0xcb: {  	[hbm4b:s10+s3] =	stream.indirect_vreg.scatter [tilespmem:s5], [sflag:$0x1], $0x80, v5, vm0, $0xb8;
	[tilespmem:$0x12100] =	vst v63  }
0xcc: {  	s12 =	simm.s32 $0xE100  }
0xcd: {  	[hbm4b:s4+s3] =	stream.indirect_vreg.scatter [tilespmem:s12], [sflag:$0x1], $0x80, v4, vm0, $0xb8;
	[tilespmem:$0x12100] =	vst v63  }
0xce: {  	s17 =	simm.s32 $0xE900  }
0xcf: {  	[hbm4b:s8+s3] =	stream.indirect_vreg.scatter [tilespmem:s17], [sflag:$0x1], $0x80, v4, vm0, $0xb8;
	[tilespmem:$0x12100] =	vst v63  }
0xd0: {  	s24 =	simm.s32 $0xF100  }
0xd1: {  	[hbm4b:s9+s3] =	stream.indirect_vreg.scatter [tilespmem:s24], [sflag:$0x1], $0x80, v4, vm0, $0xb8;
	[tilespmem:$0x12100] =	vst v63  }
0xd2: {  	s2 =	simm.s32 $0xF900  }
0xd3: {  	[hbm4b:s10+s3] =	stream.indirect_vreg.scatter [tilespmem:s2], [sflag:$0x1], $0x80, v4, vm0, $0xb8;
	[tilespmem:$0x12100] =	vst v63  }
0xd4: {  	_ =	swait.ge [sflag:s15], $0x10000  }
0xd5: {  	[sflag:s15] =	ssyncset.done $0x0  }
0xd6: {  	s5 =	rddreg [dreg:$0x9];
	[sflag:s15] =	ssyncadd.s32 $0xFFFF0000  }
0xd7: {  	[tilespmem:s1], [sflag:$0x1] =	stream.linear.gather [hbm4b:s5+s3], $0x2000, $0x38;
	[tilespmem:$0x12100] =	vst v63  }
0xd8: {  	_ =	swait.ge [sflag:s15], $0x2000  }
0xd9: {  	[sflag:s15] =	ssyncset.done $0x0  }
0xda: {  	s12 =	simm.s32 $0x80;
	s17 =	simm.s32 $0x40;
	[sflag:s15] =	ssyncadd.s32 $0xFFFFE000  }
0xdb: {  	[hbm4b:s13+s17] =	stream.indirect.scatter [tilespmem:s1], [sflag:$0x1], $0x80, s12, s17, $0xb8;
	[tilespmem:$0x12100] =	vst v63  }
0xdc: {  	_ =	swait.ge [sflag:s15], $0x2000  }
0xdd: {  	s22 =	sadd.s32 $0x1, s22;
	s24 =	rddreg [dreg:$0xb]  }
0xde: {  	p1 =	sne.s32 s22, s24  }
.Ltmp1:
0xdf: {  	_ = 	snop;
	(pc) =	sbr.rel @!p1 .LBB2_6-.Ltmp1, $3  }
0xe0: {  	_ =	sdelay $0x1  }
0xe1: {  	s18 =	simm.s32 $0x100;
	s21 =	simm.s32 $0x900;
	[sflag:s15] =	ssyncset.done $0x0  }
0xe2: {  	s16 =	simm.s32 $0x1900;
	s23 =	simm.s32 $0x1100;
	[sflag:s15] =	ssyncadd.s32 $0xFFFFE000  }
.LBB2_1:
.Ltmp2:
0xe3: {  	s0 =	rddreg [dreg:$0x5];
	(pc) =	sbr.rel @p0 .LBB2_5-.Ltmp2, $4  }
0xe4: {  	[tilespmem:s3], [sflag:$0x1] =	stream.linear.gather [hbm4b:s0+s3], $0x100, $0x38;
	[tilespmem:$0x12100] =	vst v63  }
0xe5: {  	_ =	swait.ge [sflag:s15], $0x100  }
0xe6: {  	[sflag:s15] =	ssyncset.done $0x0  }
0xe7: {  	[sflag:s15] =	ssyncadd.s32 $0xFFFFFF00  }
0xe8: {  	s17 =	sand.u32 $0x70, s3;
	s24 =	sand.u32 $0x1C00, s3  }
0xe9: {  	s17 =	sor.u32 s17, s24  }
0xea: {  	s24 =	sadd.s32 $0x10, s3;
	[tilespmem:s17+$0x100] =	vst v0;
	s17 =	simm.s32 $0x0  }
.LBB2_3:
0xeb: {  	p1 =	sne.s32 s24, $0x3F0  }
.Ltmp3:
0xec: {  	_ = 	snop;
	(pc) =	sbr.rel @p1 .LBB2_3-.Ltmp3, $4  }
0xed: {  	s17 =	sadd.s32 $0x80, s17  }
0xee: {  	s2 =	sand.u32 $0x70, s24;
	s5 =	sand.u32 $0x1C00, s17  }
0xef: {  	s2 =	sor.u32 s2, s5  }
0xf0: {  	s24 =	sadd.s32 $0x10, s24;
	[tilespmem:s2+$0x100] =	vst v0  }
0xf1: {  	s0 =	rddreg [dreg:$0x6]  }
0xf2: {  	[hbm4b:s0+s3] =	stream.linear.scatter [tilespmem:s18], [sflag:$0x1], $0x80, $0x38;
	[tilespmem:$0x12100] =	vst v63  }
0xf3: {  	s2 =	rddreg [dreg:$0x4];
	s5 =	simm.s32 $0x500  }
0xf4: {  	[hbm4b:s2+s3] =	stream.linear.scatter [tilespmem:s5], [sflag:$0x1], $0x80, $0x38;
	[tilespmem:$0x12100] =	vst v63  }
0xf5: {  	s1 =	sadd.s32 $0x100, s0  }
0xf6: {  	[hbm4b:s1+s3] =	stream.linear.scatter [tilespmem:s21], [sflag:$0x1], $0x80, $0x38;
	[tilespmem:$0x12100] =	vst v63  }
0xf7: {  	s12 =	simm.s32 $0xD00;
	s5 =	sadd.s32 $0x180, s0  }
0xf8: {  	[hbm4b:s5+s3] =	stream.linear.scatter [tilespmem:s12], [sflag:$0x1], $0x80, $0x38;
	[tilespmem:$0x12100] =	vst v63  }
0xf9: {  	s13 =	sadd.s32 $0x200, s0  }
0xfa: {  	[hbm4b:s13+s3] =	stream.linear.scatter [tilespmem:s23], [sflag:$0x1], $0x80, $0x38;
	[tilespmem:$0x12100] =	vst v63  }
0xfb: {  	s17 =	sadd.s32 $0x280, s0;
	s18 =	simm.s32 $0x1500  }
0xfc: {  	[hbm4b:s17+s3] =	stream.linear.scatter [tilespmem:s18], [sflag:$0x1], $0x80, $0x38;
	[tilespmem:$0x12100] =	vst v63  }
0xfd: {  	s21 =	sadd.s32 $0x300, s0  }
0xfe: {  	[hbm4b:s21+s3] =	stream.linear.scatter [tilespmem:s16], [sflag:$0x1], $0x80, $0x38;
	[tilespmem:$0x12100] =	vst v63  }
.Ltmp4:
0xff: {  	s24 =	simm.s32 $0x1D00;
	s23 =	sadd.s32 $0x380, s0;
	(pc) =	sbr.rel .LBB2_5-.Ltmp4, $4  }
0x100: {  	[hbm4b:s23+s3] =	stream.linear.scatter [tilespmem:s24], [sflag:$0x1], $0x80, $0x38;
	[tilespmem:$0x12100] =	vst v63  }
0x101: {  	_ =	swait.ge [sflag:s15], $0x400  }
0x102: {  	[sflag:s15] =	ssyncset.done $0x0  }
0x103: {  	[sflag:s15] =	ssyncadd.s32 $0xFFFFFC00  }
.LBB2_6:
0x104: {  	_ =	sfence.sel $0x180000  }
0x105: {  	[bflag:$0x0] =	sbarrier.arrive $0xFFFF  }
0x106: {  	_ =	strace $0x90000047  }
0x107: {  	s0 =	stileid.u32;
	[bflag:$0x2] =	sbarrier.arrive $0xFFFF  }
0x108: {  	p0 =	sne.s32 s0, $0x0;
	s0 =	rddreg [dreg:$0x3]  }
0x109: {  	s0 =	sadd.s32 @!p0 $0x100000, s0  }
0x10a: {  	[sflag:s0] =	ssyncadd.tile.s32 @!p0 $0x1;
	_ =	shalt  }
.Lfunc_end2:
_tile_overlayer_lowered:
.L_overlay_start_2:
0x10b: {  	(tag) =	ssettag $0x2  }
0x10c: {  	s0 =	rddreg [dreg:$0x0];
	s2 =	stileid.u32  }
0x10d: {  	s1 =	rddreg [dreg:$0x1];
	p0 =	sne.s32 s2, $0x0  }
0x10e: {  	s3 =	rddreg [dreg:$0x2];
	[bflag:$0x3] =	sbarrier.arrive $0xFFFF;
	s2 =	simm.s32 @!p0 $0x1C02  }
0x10f: {  	[timem:s3], [sflag:s2] =	dma.local @!p0 [hbm:s0], s1  }
0x110: {  	s0 =	simm.s32 @!p0 $0x2  }
0x111: {  	_ =	swait.ge @!p0 [sflag:s0], s1  }
0x112: {  	s1 =	ssub.s32 @!p0 $0x0, s1;
	[sflag:s0] =	ssyncset.done @!p0 $0x0  }
0x113: {  	[sflag:s0] =	ssyncadd.s32 @!p0 s1  }
0x114: {  	[bflag:$0x3] =	sbarrier.arrive $0xFFFF  }
0x115: {  	_ =	shalt  }

// kernel: kernel.9.cloned.1.call-start
scs
__scs_entry_jumppad:
0x0: {  	(pc) =	sbr.rel $0x88, $3  }
0x1: {  	(tag) =	ssettag $0x0;
	lr =	simm.s32 $0x1  }
0x2: {  	[smem:$0x3F9A] =	sst lr;
	_ =	strace $0xD0000000  }
0x3: {  	_ = 	snop  }
0x4: {  	_ = 	snop  }
0x5: {  	_ = 	snop  }
0x6: {  	_ = 	snop  }
0x7: {  	_ = 	snop  }
__scs_overlays_trampoline_lowered:
0x8: {  	[smem:$0x3FA9] =	sst s0  }
0x9: {  	[smem:$0x3FAA] =	sst s1  }
0xa: {  	[smem:$0x3FAB] =	sst s2  }
0xb: {  	[smem:$0x3FAC] =	sst s3  }
0xc: {  	[smem:$0x3FAD] =	sst s4  }
0xd: {  	[smem:$0x3FAE] =	sst s5  }
0xe: {  	[smem:$0x3FAF] =	sst s6  }
0xf: {  	[smem:$0x3FB0] =	sst s7  }
0x10: {  	[smem:$0x3FB1] =	sst s8  }
0x11: {  	[smem:$0x3FB2] =	sst s9;
	s0 =	simm.s32 @!p0 $0x0  }
0x12: {  	s1 =	sld [smem:$0x3F98];
	s0 =	simm.s32 @p0 $0x1  }
0x13: {  	[smem:$0x3FB3] =	sst s0;
	s0 =	simm.s32 @!p1 $0x0  }
0x14: {  	s2 =	sld [smem:$0x3F97];
	s0 =	simm.s32 @p1 $0x1  }
0x15: {  	[smem:$0x3FB4] =	sst s0;
	s0 =	simm.s32 @!p2 $0x0  }
0x16: {  	s3 =	sld [smem:$0x3FDB];
	s0 =	simm.s32 @p2 $0x1  }
0x17: {  	s4 =	simm.s32 $0x1BF5;
	[smem:$0x3FB6] =	sst s0  }
0x18: {  	s0 =	sld [smem:$0x3F99];
	_ =	swait.ge [sflag:s4], $0x0  }
0x19: {  	s7 =	sld [smem:$0x3F9A]  }
0x1a: {  	s8 =	sadd.s32 $0xFFFFE003, lr  }
0x1b: {  	s9 =	sadd.s32 $0xFFFFFEF7, lr;
	s5 =	simm.s32 $0xFFFFFFFF;
	p2 =	slt.u32 s8, $0xFFFFF086  }
0x1c: {  	p1 =	slt.u32 s9, $0xF7A;
	s5 =	simm.s32 @!p2 $0x0  }
0x1d: {  	s5 =	simm.s32 @p1 $0x1;
	p0 =	seq.s32 s7, s2  }
0x1e: {  	s7 =	smul.u32 @!p0 $0xF7A, s2;
	p2 =	seq.s32 @!p0 s5, $0x0  }
0x1f: {  	s9 =	smul.u32 $0xF7A, s1;
	s8 =	simm.s32 @!p0 $0x1BF5;
	p2 =	por !p2, p0  }
0x20: {  	[sflag:s8] =	ssyncset.s32 @!p0 $0xFFFFF086;
	s6 =	sadd.s32 @!p0 s3, s7;
	s7 =	simm.s32 @!p0 $0x108  }
0x21: {  	s3 =	sadd.s32 s3, s9;
	s6 =	sadd.s32 @!p0 $0x88, s6;
	s7 =	simm.s32 @p2 $0x1082  }
0x22: {  	[simem:s7], [sflag:s8] =	dma.local @!p0 [hbm:s6], $0xF7A  }
0x23: {  	s9 =	sor.u32 $0xD0000000, s2;
	s6 =	simm.s32 $0x108;
	_ =	swait.ge @!p0 [sflag:s8], $0x0  }
0x24: {  	s3 =	sadd.s32 $0x88, s3;
	s6 =	simm.s32 @!p1 $0x1082;
	[sflag:s4] =	ssyncset.s32 $0xFFFFF086  }
0x25: {  	[simem:s6], [sflag:s4] =	dma.local [hbm:s3], $0xF7A  }
0x26: {  	[smem:$0x3F9A] =	sst s1;
	(tag) =	ssettag s2;
	_ =	strace s9  }
0x27: {  	s1 =	sld [smem:$0x3FAA]  }
0x28: {  	s2 =	sld [smem:$0x3FAB]  }
0x29: {  	s4 =	sld [smem:$0x3FAD]  }
0x2a: {  	p0 =	seq.s32 s5, $0x0;
	s5 =	sld [smem:$0x3FAE]  }
0x2b: {  	s6 =	sld [smem:$0x3FAF]  }
0x2c: {  	s7 =	sld [smem:$0x3FB0]  }
0x2d: {  	s3 =	simm.s32 $0x108;
	s8 =	sld [smem:$0x3FB1]  }
0x2e: {  	s3 =	simm.s32 @!p0 $0x1082;
	s9 =	sld [smem:$0x3FB2]  }
0x2f: {  	lr =	sadd.s32 s0, s3;
	s0 =	sld [smem:$0x3FA9]  }
0x30: {  	s3 =	sld [smem:$0x3FAC]  }
0x31: {  	[smem:$0x3FB5] =	sst s10  }
0x32: {  	s10 =	sld [smem:$0x3FB3];
	_ =	sdelay $0x3  }
0x33: {  	p0 =	seq.s32 s10, $0x1;
	s10 =	sld [smem:$0x3FB5];
	_ =	sdelay $0x3  }
0x34: {  	[smem:$0x3FB5] =	sst s10  }
0x35: {  	s10 =	sld [smem:$0x3FB4];
	_ =	sdelay $0x3  }
0x36: {  	p1 =	seq.s32 s10, $0x1;
	s10 =	sld [smem:$0x3FB5];
	_ =	sdelay $0x3  }
0x37: {  	[smem:$0x3FB5] =	sst s10  }
0x38: {  	s10 =	sld [smem:$0x3FB6]  }
0x39: {  	_ = 	snop;
	(pc) =	sbr.ind lr, $3  }
0x3a: {  	_ = 	snop  }
0x3b: {  	_ = 	snop  }
0x3c: {  	p2 =	seq.s32 s10, $0x1;
	s10 =	sld [smem:$0x3FB5]  }
0x3d: {  	_ =	shalt  }
0x3e: {  	_ =	shalt  }
0x3f: {  	_ =	shalt  }
0x40: {  	_ =	shalt  }
0x41: {  	_ =	shalt  }
0x42: {  	_ =	shalt  }
0x43: {  	_ =	shalt  }
0x44: {  	_ =	shalt  }
0x45: {  	_ =	shalt  }
0x46: {  	_ =	shalt  }
0x47: {  	_ =	shalt  }
0x48: {  	_ =	shalt  }
0x49: {  	_ =	shalt  }
0x4a: {  	_ =	shalt  }
0x4b: {  	_ =	shalt  }
0x4c: {  	_ =	shalt  }
0x4d: {  	_ =	shalt  }
0x4e: {  	_ =	shalt  }
0x4f: {  	_ =	shalt  }
0x50: {  	_ =	shalt  }
0x51: {  	_ =	shalt  }
0x52: {  	_ =	shalt  }
0x53: {  	_ =	shalt  }
0x54: {  	_ =	shalt  }
0x55: {  	_ =	shalt  }
0x56: {  	_ =	shalt  }
0x57: {  	_ =	shalt  }
0x58: {  	_ =	shalt  }
0x59: {  	_ =	shalt  }
0x5a: {  	_ =	shalt  }
0x5b: {  	_ =	shalt  }
0x5c: {  	_ =	shalt  }
0x5d: {  	_ =	shalt  }
0x5e: {  	_ =	shalt  }
0x5f: {  	_ =	shalt  }
0x60: {  	_ =	shalt  }
0x61: {  	_ =	shalt  }
0x62: {  	_ =	shalt  }
0x63: {  	_ =	shalt  }
0x64: {  	_ =	shalt  }
0x65: {  	_ =	shalt  }
0x66: {  	_ =	shalt  }
0x67: {  	_ =	shalt  }
0x68: {  	_ =	shalt  }
0x69: {  	_ =	shalt  }
0x6a: {  	_ =	shalt  }
0x6b: {  	_ =	shalt  }
0x6c: {  	_ =	shalt  }
0x6d: {  	_ =	shalt  }
0x6e: {  	_ =	shalt  }
0x6f: {  	_ =	shalt  }
0x70: {  	_ =	shalt  }
0x71: {  	_ =	shalt  }
0x72: {  	_ =	shalt  }
0x73: {  	_ =	shalt  }
0x74: {  	_ =	shalt  }
0x75: {  	_ =	shalt  }
0x76: {  	_ =	shalt  }
0x77: {  	_ =	shalt  }
0x78: {  	_ =	shalt  }
0x79: {  	_ =	shalt  }
0x7a: {  	_ =	shalt  }
0x7b: {  	_ =	shalt  }
0x7c: {  	_ =	shalt  }
0x7d: {  	_ =	shalt  }
0x7e: {  	_ =	shalt  }
0x7f: {  	_ =	shalt  }
0x80: {  	_ =	shalt  }
0x81: {  	_ =	shalt  }
0x82: {  	_ =	shalt  }
0x83: {  	_ =	shalt  }
0x84: {  	_ =	shalt  }
0x85: {  	_ =	shalt  }
0x86: {  	_ =	shalt  }
0x87: {  	_ =	shalt  }
.Lfunc_end0:
.L_simem_size_0:
called_computation.1_lowered:
.L_overlay_start_0:
0x88: {  	s2 =	sld [smem:$0x3FD9]  }
0x89: {  	s3 =	sld [smem:$0x3FFE];
	_ =	sdelay $0x1  }
0x8a: {  	s1 =	srdreg.scid  }
0x8b: {  	s0 =	sand.u32 $0x1, s1  }
0x8c: {  	s14 =	sshll.u32 s0, $0xA;
	s2 =	sadd.s32 s3, s2  }
0x8d: {  	s2 =	sadd.s32 s2, s14  }
0x8e: {  	[smem:$0x3FC1] =	sst s2  }
0x8f: {  	_ = 	snop  }
0x90: {  	s2 =	sld [smem:$0x3FD0];
	_ =	sdelay $0x2  }
0x91: {  	s15 =	simm.s32 $0xA;
	s4 =	simm.s32 $0x10  }
0x92: {  	[smem:s4], [sflag:s15] =	dma.local [hbm:s2], $0x1  }
0x93: {  	_ =	swait.eq [sflag:s15], $0x1  }
0x94: {  	[sflag:s15] =	ssyncset.done $0x0  }
0x95: {  	[sflag:s15] =	ssyncadd.s32 $0xFFFFFFFF  }
0x96: {  	s16 =	sld [smem:$0x10];
	(tm) =	ssettm $0x1  }
0x97: {  	s17 =	sld [smem:$0x3FFB];
	_ =	sdelay $0x3  }
0x98: {  	_ =	strace s17  }
0x99: {  	s3 =	sld [smem:$0x3FFC];
	_ =	sdelay $0x3  }
0x9a: {  	_ =	strace s3  }
0x9b: {  	s3 =	sld [smem:$0x3FFD];
	_ =	sdelay $0x3  }
0x9c: {  	_ =	strace s3  }
0x9d: {  	_ =	strace $0x8FFFFFFF  }
0x9e: {  	s18 =	sld [smem:$0x3FDB];
	_ =	sdelay $0x1  }
0x9f: {  	s19 =	simm.s32 $_scs_section_size  }
0xa0: {  	s5 =	simm.s32 $_size__tile_overlayer_lowered;
	s6 =	simm.s32 $_tile_overlayer_lowered  }
0xa1: {  	s22 =	simm.s32 $0x1BFF;
	s21 =	sshll.u32 s6, $0x1;
	s3 =	sadd.s32 s19, s18  }
0xa2: {  	s7 =	simm.s32 $0x0;
	s20 =	sshll.u32 s5, $0x1;
	s5 =	sadd.s32 s21, s3  }
0xa3: {  	[timem:s7], [sflag:s22] =	dma.local [hbm:s5], s20  }
0xa4: {  	_ =	swait.ge [sflag:s22], s20  }
0xa5: {  	s4 =	ssub.s32 $0x0, s20;
	[sflag:s22] =	ssyncset.done $0x0  }
0xa6: {  	[sflag:s22] =	ssyncadd.s32 s4;
	_ =	sdelay $0x1  }
0xa7: {  	s23 =	simm.s32 $0x1B8B  }
0xa8: {  	_ =	swait.ge [sflag:s23], $0x1  }
0xa9: {  	[sflag:s23] =	ssyncset.done $0x0  }
0xaa: {  	s25 =	simm.s32 $0x1B8E;
	s24 =	sld [smem:$0x3FFE];
	[sflag:s23] =	ssyncadd.s32 $0xFFFFFFFF  }
0xab: {  	s26 =	simm.s32 $execute0_lowered;
	[smem:$0x3FD2] =	sst s25  }
0xac: {  	s5 =	sshll.u32 s26, $0x1;
	_ =	strace $0x80000049;
	[dreg:$0x1] =	wrdreg $0xFFFFFFFF  }
0xad: {  	s28 =	simm.s32 $_size_execute0_lowered;
	s3 =	sadd.s32 s3, s5;
	[dreg:$0x0] =	wrdreg $0x0  }
0xae: {  	s5 =	sshll.u32 s28, $0x1;
	[dreg:$0x2] =	wrdreg s3  }
0xaf: {  	[dreg:$0x3] =	wrdreg s5  }
0xb0: {  	[dreg:$0x4] =	wrdreg $0xC0  }
0xb1: {  	_ =	task [dreg:s7], $0x5FFFF  }
0xb2: {  	[dreg:$0x1] =	wrdreg $0xFFFFFFFF  }
0xb3: {  	[dreg:$0x0] =	wrdreg $0x60  }
0xb4: {  	[dreg:$0x2] =	wrdreg s24  }
0xb5: {  	[dreg:$0x3] =	wrdreg s16  }
0xb6: {  	[dreg:$0x4] =	wrdreg $0x9  }
0xb7: {  	_ =	task.clear_ibuf [dreg:s7], $0x5FFFF;
	_ =	strace $0x90000049  }
0xb8: {  	s29 =	simm.s32 $0x9;
	_ =	strace $0x8000004B  }
0xb9: {  	_ =	swait.ge [sflag:s29], $0x1  }
0xba: {  	[sflag:s29] =	ssyncadd.s32 $0xFFFFFFFF  }
0xbb: {  	_ =	strace $0x9000004B  }
0xbc: {  	_ =	sfence  }
0xbd: {  	s30 =	sld [smem:$0x0];
	_ =	sdelay $0x2  }
0xbe: {  	s31 =	sshll.u32 s1, $0xD;
	s1 =	sshrl.u32 s1, $0x2  }
0xbf: {  	s3 =	sand.u32 $0x4000, s31;
	s1 =	sadd.s32 s1, s30  }
0xc0: {  	s0 =	sor.u32 s3, s0;
	s1 =	sshll.u32 s1, $0x11  }
0xc1: {  	s0 =	sor.u32 s1, s0  }
0xc2: {  	s0 =	sadd.s32 $0x8F2B, s0  }
0xc3: {  	[sflag:s0] =	ssyncadd.remote.s32 $0x1  }
0xc4: {  	_ =	sfence.sel $0xFFFF  }
0xc5: {  	[dreg:$0x0] =	wrdreg $0xFFFFFFFF;
	(pc) =	sbr.abs _section_cstart, $3  }
0xc6: {  	[dreg:$0x1] =	wrdreg $0xFFFFFFFF  }
0xc7: {  	_ =	task.clear_ibuf [dreg:s7], $0x2FFFF;
	_ =	strace $0x9FFFFFFF  }
0xc8: {  	(tm) =	ssettm $0x7FFFFFFF  }
0xc9: {  	_ =	shalt  }
tec
execute0_lowered:
.L_overlay_start_1:
0x0: {  	(tag) =	ssettag $0x1  }
0x1: {  	s0 =	rddreg [dreg:$0x0]  }
0x2: {  	s1 =	rddreg [dreg:$0x1]  }
0x3: {  	s3 =	srdreg.scid;
	s5 =	stileid.u32;
	s2 =	simm.s32 $0x0  }
0x4: {  	s9 =	simm.s32 $0x1;
	s20 =	simm.s32 $0x900;
	s21 =	simm.s32 $0x1100  }
0x5: {  	s22 =	simm.s32 $0x1900;
	s23 =	simm.s32 $0x2100;
	s24 =	simm.s32 $0x2900  }
0x6: {  	s25 =	simm.s32 $0x3100;
	s28 =	simm.s32 $0x4100;
	s29 =	simm.s32 $0x4900  }
0x7: {  	s30 =	simm.s32 $0x5100;
	s31 =	simm.s32 $0x5900;
	s11 =	simm.s32 $0x7100  }
0x8: {  	s12 =	simm.s32 $0x7900;
	s13 =	simm.s32 $0x8900;
	s14 =	simm.s32 $0x9100  }
0x9: {  	s15 =	simm.s32 $0x9900;
	s16 =	simm.s32 $0xA100;
	s17 =	simm.s32 $0xA900  }
0xa: {  	s18 =	simm.s32 $0xB100;
	s10 =	simm.s32 $0xB900;
	s4 =	sand.u32 $0x1, s3  }
0xb: {  	s26 =	sshll.u32 s5, $0x1;
	[smem:$0x7FF] =	sst s2;
	s3 =	sadd.s32 $0x12800, s0  }
0xc: {  	s5 =	sor.u32 s4, s26;
	_ =	strace $0x8000004A;
	s4 =	ssub.s32 $0x2, s4  }
0xd: {  	s26 =	simm.s32 $0x3900;
	s6 =	sshll.u32 s5, $0x5;
	s7 =	sshrl.u32 s4, $0x1  }
0xe: {  	s5 =	sshll.u32 s5, $0xE;
	s6 =	sadd.s32 s6, s0;
	s4 =	ssub.s32 s4, s7  }
0xf: {  	s1 =	sadd.s32 s1, s5;
	s5 =	sadd.s32 $0x12900, s0;
	s7 =	sadd.s32 $0x12B00, s0  }
0x10: {  	v2 =	vlaneseq.u32;
	s6 =	sadd.s32 $0x12400, s6;
	[dreg:$0x5] =	wrdreg s1;
	s1 =	sadd.s32 $0x2000, s1  }
0x11: {  	vm0 =	vmmov $0xffff;
	v1 =	vshrl.u32 v2, $0x3;
	s8 =	smax.u32 s4, $0x1;
	s4 =	simm.s32 $0x8100;
	[dreg:$0x3] =	wrdreg s6  }
0x12: {  	v0 =	vand.u32 $0x7, v2;
	v2 =	vor.u32 $0x8, v2;
	v1 =	vmul.u32 $0x8, v1;
	s6 =	sadd.s32 $0x12A00, s0;
	[dreg:$0x4] =	wrdreg s1;
	s0 =	simm.s32 $0x100  }
.LBB2_1:
0x13: {  	s19 =	rddreg [dreg:$0x3]  }
0x14: {  	[tilespmem:s2], [sflag:$0x1] =	stream.linear.gather [hbm4b:s19+s2], $0x100, $0x38;
	[tilespmem:$0x10100] =	vst v63  }
0x15: {  	_ =	swait.ge [sflag:s9], $0x100  }
0x16: {  	[sflag:s9] =	ssyncset.done $0x0  }
0x17: {  	[sflag:s9] =	ssyncadd.s32 $0xFFFFFF00  }
0x18: {  	v3 =	vld [tilespmem:$0x0];
	_ =	sdelay $0x4  }
0x19: {  	v4 =	vshll.u32 v3, $0x3  }
0x1a: {  	v3 =	vand.u32 $0x7, v3;
	v4 =	vand.u32 $0xFFFFFFC0, v4  }
0x1b: {  	v3 =	vor.u32 v3, v4  }
0x1c: {  	v4 =	vperm.xlane v3, v0;
	_ =	sdelay $0x1  }
0x1d: {  	v4 =	vadd.s32 v1, v4;
	_ =	sdelay $0x4  }
0x1e: {  	[tilespmem:s0], [sflag:$0x1] =	stream.indirect_vreg.gather [hbm4b:s3+s2], $0x80, v4, vm0, $0xb8;
	[tilespmem:$0x10100] =	vst v63  }
0x1f: {  	v3 =	vperm.xlane v3, v2  }
0x20: {  	[tilespmem:s20], [sflag:$0x1] =	stream.indirect_vreg.gather [hbm4b:s5+s2], $0x80, v4, vm0, $0xb8;
	[tilespmem:$0x10100] =	vst v63  }
0x21: {  	v3 =	vadd.s32 v1, v3  }
0x22: {  	[tilespmem:s21], [sflag:$0x1] =	stream.indirect_vreg.gather [hbm4b:s6+s2], $0x80, v4, vm0, $0xb8;
	[tilespmem:$0x10100] =	vst v63  }
0x23: {  	_ = 	snop  }
0x24: {  	[tilespmem:s22], [sflag:$0x1] =	stream.indirect_vreg.gather [hbm4b:s7+s2], $0x80, v4, vm0, $0xb8;
	[tilespmem:$0x10100] =	vst v63  }
0x25: {  	_ = 	snop  }
0x26: {  	[tilespmem:s23], [sflag:$0x1] =	stream.indirect_vreg.gather [hbm4b:s3+s2], $0x80, v3, vm0, $0xb8;
	[tilespmem:$0x10100] =	vst v63  }
0x27: {  	_ = 	snop  }
0x28: {  	[tilespmem:s24], [sflag:$0x1] =	stream.indirect_vreg.gather [hbm4b:s5+s2], $0x80, v3, vm0, $0xb8;
	[tilespmem:$0x10100] =	vst v63  }
0x29: {  	_ = 	snop  }
0x2a: {  	[tilespmem:s25], [sflag:$0x1] =	stream.indirect_vreg.gather [hbm4b:s6+s2], $0x80, v3, vm0, $0xb8;
	[tilespmem:$0x10100] =	vst v63  }
0x2b: {  	_ = 	snop  }
0x2c: {  	[tilespmem:s26], [sflag:$0x1] =	stream.indirect_vreg.gather [hbm4b:s7+s2], $0x80, v3, vm0, $0xb8;
	[tilespmem:$0x10100] =	vst v63  }
0x2d: {  	v3 =	vld [tilespmem:$0x10];
	_ =	sdelay $0x4  }
0x2e: {  	v57 =	vshll.u32 v3, $0x3  }
0x2f: {  	v3 =	vand.u32 $0x7, v3;
	v4 =	vand.u32 $0xFFFFFFC0, v57  }
0x30: {  	v3 =	vor.u32 v3, v4  }
0x31: {  	v4 =	vperm.xlane v3, v0;
	_ =	sdelay $0x1  }
0x32: {  	v4 =	vadd.s32 v1, v4;
	_ =	sdelay $0x4  }
0x33: {  	[tilespmem:s28], [sflag:$0x1] =	stream.indirect_vreg.gather [hbm4b:s3+s2], $0x80, v4, vm0, $0xb8;
	[tilespmem:$0x10100] =	vst v63  }
0x34: {  	v3 =	vperm.xlane v3, v2  }
0x35: {  	[tilespmem:s29], [sflag:$0x1] =	stream.indirect_vreg.gather [hbm4b:s5+s2], $0x80, v4, vm0, $0xb8;
	[tilespmem:$0x10100] =	vst v63  }
0x36: {  	v3 =	vadd.s32 v1, v3  }
0x37: {  	[tilespmem:s30], [sflag:$0x1] =	stream.indirect_vreg.gather [hbm4b:s6+s2], $0x80, v4, vm0, $0xb8;
	[tilespmem:$0x10100] =	vst v63  }
0x38: {  	_ = 	snop  }
0x39: {  	[tilespmem:s31], [sflag:$0x1] =	stream.indirect_vreg.gather [hbm4b:s7+s2], $0x80, v4, vm0, $0xb8;
	[tilespmem:$0x10100] =	vst v63  }
0x3a: {  	s1 =	simm.s32 $0x6100  }
0x3b: {  	[tilespmem:s1], [sflag:$0x1] =	stream.indirect_vreg.gather [hbm4b:s3+s2], $0x80, v3, vm0, $0xb8;
	[tilespmem:$0x10100] =	vst v63  }
0x3c: {  	s1 =	simm.s32 $0x6900  }
0x3d: {  	[tilespmem:s1], [sflag:$0x1] =	stream.indirect_vreg.gather [hbm4b:s5+s2], $0x80, v3, vm0, $0xb8;
	[tilespmem:$0x10100] =	vst v63  }
0x3e: {  	_ = 	snop  }
0x3f: {  	[tilespmem:s11], [sflag:$0x1] =	stream.indirect_vreg.gather [hbm4b:s6+s2], $0x80, v3, vm0, $0xb8;
	[tilespmem:$0x10100] =	vst v63  }
0x40: {  	_ = 	snop  }
0x41: {  	[tilespmem:s12], [sflag:$0x1] =	stream.indirect_vreg.gather [hbm4b:s7+s2], $0x80, v3, vm0, $0xb8;
	[tilespmem:$0x10100] =	vst v63  }
0x42: {  	v3 =	vld [tilespmem:$0x20];
	_ =	sdelay $0x4  }
0x43: {  	v58 =	vshll.u32 v3, $0x3  }
0x44: {  	v3 =	vand.u32 $0x7, v3;
	v4 =	vand.u32 $0xFFFFFFC0, v58  }
0x45: {  	v3 =	vor.u32 v3, v4  }
0x46: {  	v4 =	vperm.xlane v3, v0;
	_ =	sdelay $0x1  }
0x47: {  	v4 =	vadd.s32 v1, v4;
	_ =	sdelay $0x4  }
0x48: {  	[tilespmem:s4], [sflag:$0x1] =	stream.indirect_vreg.gather [hbm4b:s3+s2], $0x80, v4, vm0, $0xb8;
	[tilespmem:$0x10100] =	vst v63  }
0x49: {  	v3 =	vperm.xlane v3, v2  }
0x4a: {  	[tilespmem:s13], [sflag:$0x1] =	stream.indirect_vreg.gather [hbm4b:s5+s2], $0x80, v4, vm0, $0xb8;
	[tilespmem:$0x10100] =	vst v63  }
0x4b: {  	v3 =	vadd.s32 v1, v3  }
0x4c: {  	[tilespmem:s14], [sflag:$0x1] =	stream.indirect_vreg.gather [hbm4b:s6+s2], $0x80, v4, vm0, $0xb8;
	[tilespmem:$0x10100] =	vst v63  }
0x4d: {  	_ = 	snop  }
0x4e: {  	[tilespmem:s15], [sflag:$0x1] =	stream.indirect_vreg.gather [hbm4b:s7+s2], $0x80, v4, vm0, $0xb8;
	[tilespmem:$0x10100] =	vst v63  }
0x4f: {  	_ = 	snop  }
0x50: {  	[tilespmem:s16], [sflag:$0x1] =	stream.indirect_vreg.gather [hbm4b:s3+s2], $0x80, v3, vm0, $0xb8;
	[tilespmem:$0x10100] =	vst v63  }
0x51: {  	_ = 	snop  }
0x52: {  	[tilespmem:s17], [sflag:$0x1] =	stream.indirect_vreg.gather [hbm4b:s5+s2], $0x80, v3, vm0, $0xb8;
	[tilespmem:$0x10100] =	vst v63  }
0x53: {  	_ = 	snop  }
0x54: {  	[tilespmem:s18], [sflag:$0x1] =	stream.indirect_vreg.gather [hbm4b:s6+s2], $0x80, v3, vm0, $0xb8;
	[tilespmem:$0x10100] =	vst v63  }
0x55: {  	_ = 	snop  }
0x56: {  	[tilespmem:s10], [sflag:$0x1] =	stream.indirect_vreg.gather [hbm4b:s7+s2], $0x80, v3, vm0, $0xb8;
	[tilespmem:$0x10100] =	vst v63  }
0x57: {  	v3 =	vld [tilespmem:$0x30];
	_ =	sdelay $0x4  }
0x58: {  	v59 =	vshll.u32 v3, $0x3  }
0x59: {  	v3 =	vand.u32 $0x7, v3;
	v4 =	vand.u32 $0xFFFFFFC0, v59  }
0x5a: {  	v3 =	vor.u32 v3, v4  }
0x5b: {  	v4 =	vperm.xlane v3, v0;
	_ =	sdelay $0x1  }
0x5c: {  	v4 =	vadd.s32 v1, v4;
	_ =	sdelay $0x3  }
0x5d: {  	s19 =	simm.s32 $0xC100  }
0x5e: {  	[tilespmem:s19], [sflag:$0x1] =	stream.indirect_vreg.gather [hbm4b:s3+s2], $0x80, v4, vm0, $0xb8;
	[tilespmem:$0x10100] =	vst v63  }
0x5f: {  	v3 =	vperm.xlane v3, v2;
	s19 =	simm.s32 $0xC900  }
0x60: {  	[tilespmem:s19], [sflag:$0x1] =	stream.indirect_vreg.gather [hbm4b:s5+s2], $0x80, v4, vm0, $0xb8;
	[tilespmem:$0x10100] =	vst v63  }
0x61: {  	v3 =	vadd.s32 v1, v3;
	s19 =	simm.s32 $0xD100  }
0x62: {  	[tilespmem:s19], [sflag:$0x1] =	stream.indirect_vreg.gather [hbm4b:s6+s2], $0x80, v4, vm0, $0xb8;
	[tilespmem:$0x10100] =	vst v63  }
0x63: {  	s19 =	simm.s32 $0xD900  }
0x64: {  	[tilespmem:s19], [sflag:$0x1] =	stream.indirect_vreg.gather [hbm4b:s7+s2], $0x80, v4, vm0, $0xb8;
	[tilespmem:$0x10100] =	vst v63  }
0x65: {  	s19 =	simm.s32 $0xE100  }
0x66: {  	[tilespmem:s19], [sflag:$0x1] =	stream.indirect_vreg.gather [hbm4b:s3+s2], $0x80, v3, vm0, $0xb8;
	[tilespmem:$0x10100] =	vst v63  }
0x67: {  	s19 =	simm.s32 $0xE900  }
0x68: {  	[tilespmem:s19], [sflag:$0x1] =	stream.indirect_vreg.gather [hbm4b:s5+s2], $0x80, v3, vm0, $0xb8;
	[tilespmem:$0x10100] =	vst v63  }
0x69: {  	s19 =	simm.s32 $0xF100  }
0x6a: {  	[tilespmem:s19], [sflag:$0x1] =	stream.indirect_vreg.gather [hbm4b:s6+s2], $0x80, v3, vm0, $0xb8;
	[tilespmem:$0x10100] =	vst v63  }
0x6b: {  	s19 =	simm.s32 $0xF900  }
0x6c: {  	[tilespmem:s19], [sflag:$0x1] =	stream.indirect_vreg.gather [hbm4b:s7+s2], $0x80, v3, vm0, $0xb8;
	[tilespmem:$0x10100] =	vst v63  }
0x6d: {  	_ =	swait.ge [sflag:s9], $0x10000  }
0x6e: {  	[sflag:s9] =	ssyncset.done $0x0  }
0x6f: {  	s19 =	rddreg [dreg:$0x5];
	[sflag:s9] =	ssyncadd.s32 $0xFFFF0000  }
0x70: {  	[hbm4b:s19+s2] =	stream.linear.scatter [tilespmem:s0], [sflag:$0x1], $0x10000, $0x38;
	[tilespmem:$0x10100] =	vst v63  }
0x71: {  	_ =	swait.ge [sflag:s9], $0x10000  }
0x72: {  	[sflag:s9] =	ssyncset.done $0x0  }
0x73: {  	[sflag:s9] =	ssyncadd.s32 $0xFFFF0000  }
0x74: {  	v3 =	vld [tilespmem:$0x80];
	_ =	sdelay $0x4  }
0x75: {  	v60 =	vshll.u32 v3, $0x3  }
0x76: {  	v3 =	vand.u32 $0x7, v3;
	v4 =	vand.u32 $0xFFFFFFC0, v60  }
0x77: {  	v3 =	vor.u32 v3, v4  }
0x78: {  	v4 =	vperm.xlane v3, v0;
	_ =	sdelay $0x1  }
0x79: {  	v4 =	vadd.s32 v1, v4;
	_ =	sdelay $0x4  }
0x7a: {  	[tilespmem:s0], [sflag:$0x1] =	stream.indirect_vreg.gather [hbm4b:s3+s2], $0x80, v4, vm0, $0xb8;
	[tilespmem:$0x10100] =	vst v63  }
0x7b: {  	v3 =	vperm.xlane v3, v2  }
0x7c: {  	[tilespmem:s20], [sflag:$0x1] =	stream.indirect_vreg.gather [hbm4b:s5+s2], $0x80, v4, vm0, $0xb8;
	[tilespmem:$0x10100] =	vst v63  }
0x7d: {  	v3 =	vadd.s32 v1, v3  }
0x7e: {  	[tilespmem:s21], [sflag:$0x1] =	stream.indirect_vreg.gather [hbm4b:s6+s2], $0x80, v4, vm0, $0xb8;
	[tilespmem:$0x10100] =	vst v63  }
0x7f: {  	_ = 	snop  }
0x80: {  	[tilespmem:s22], [sflag:$0x1] =	stream.indirect_vreg.gather [hbm4b:s7+s2], $0x80, v4, vm0, $0xb8;
	[tilespmem:$0x10100] =	vst v63  }
0x81: {  	_ = 	snop  }
0x82: {  	[tilespmem:s23], [sflag:$0x1] =	stream.indirect_vreg.gather [hbm4b:s3+s2], $0x80, v3, vm0, $0xb8;
	[tilespmem:$0x10100] =	vst v63  }
0x83: {  	_ = 	snop  }
0x84: {  	[tilespmem:s24], [sflag:$0x1] =	stream.indirect_vreg.gather [hbm4b:s5+s2], $0x80, v3, vm0, $0xb8;
	[tilespmem:$0x10100] =	vst v63  }
0x85: {  	_ = 	snop  }
0x86: {  	[tilespmem:s25], [sflag:$0x1] =	stream.indirect_vreg.gather [hbm4b:s6+s2], $0x80, v3, vm0, $0xb8;
	[tilespmem:$0x10100] =	vst v63  }
0x87: {  	_ = 	snop  }
0x88: {  	[tilespmem:s26], [sflag:$0x1] =	stream.indirect_vreg.gather [hbm4b:s7+s2], $0x80, v3, vm0, $0xb8;
	[tilespmem:$0x10100] =	vst v63  }
0x89: {  	v3 =	vld [tilespmem:$0x90];
	_ =	sdelay $0x4  }
0x8a: {  	v61 =	vshll.u32 v3, $0x3  }
0x8b: {  	v3 =	vand.u32 $0x7, v3;
	v4 =	vand.u32 $0xFFFFFFC0, v61  }
0x8c: {  	v3 =	vor.u32 v3, v4  }
0x8d: {  	v4 =	vperm.xlane v3, v0;
	_ =	sdelay $0x1  }
0x8e: {  	v4 =	vadd.s32 v1, v4;
	_ =	sdelay $0x4  }
0x8f: {  	[tilespmem:s28], [sflag:$0x1] =	stream.indirect_vreg.gather [hbm4b:s3+s2], $0x80, v4, vm0, $0xb8;
	[tilespmem:$0x10100] =	vst v63  }
0x90: {  	v3 =	vperm.xlane v3, v2  }
0x91: {  	[tilespmem:s29], [sflag:$0x1] =	stream.indirect_vreg.gather [hbm4b:s5+s2], $0x80, v4, vm0, $0xb8;
	[tilespmem:$0x10100] =	vst v63  }
0x92: {  	v3 =	vadd.s32 v1, v3  }
0x93: {  	[tilespmem:s30], [sflag:$0x1] =	stream.indirect_vreg.gather [hbm4b:s6+s2], $0x80, v4, vm0, $0xb8;
	[tilespmem:$0x10100] =	vst v63  }
0x94: {  	_ = 	snop  }
0x95: {  	[tilespmem:s31], [sflag:$0x1] =	stream.indirect_vreg.gather [hbm4b:s7+s2], $0x80, v4, vm0, $0xb8;
	[tilespmem:$0x10100] =	vst v63  }
0x96: {  	s19 =	simm.s32 $0x6100  }
0x97: {  	[tilespmem:s19], [sflag:$0x1] =	stream.indirect_vreg.gather [hbm4b:s3+s2], $0x80, v3, vm0, $0xb8;
	[tilespmem:$0x10100] =	vst v63  }
0x98: {  	_ = 	snop  }
0x99: {  	[tilespmem:s1], [sflag:$0x1] =	stream.indirect_vreg.gather [hbm4b:s5+s2], $0x80, v3, vm0, $0xb8;
	[tilespmem:$0x10100] =	vst v63  }
0x9a: {  	_ = 	snop  }
0x9b: {  	[tilespmem:s11], [sflag:$0x1] =	stream.indirect_vreg.gather [hbm4b:s6+s2], $0x80, v3, vm0, $0xb8;
	[tilespmem:$0x10100] =	vst v63  }
0x9c: {  	_ = 	snop  }
0x9d: {  	[tilespmem:s12], [sflag:$0x1] =	stream.indirect_vreg.gather [hbm4b:s7+s2], $0x80, v3, vm0, $0xb8;
	[tilespmem:$0x10100] =	vst v63  }
0x9e: {  	v3 =	vld [tilespmem:$0xA0];
	_ =	sdelay $0x4  }
0x9f: {  	v62 =	vshll.u32 v3, $0x3  }
0xa0: {  	v3 =	vand.u32 $0x7, v3;
	v4 =	vand.u32 $0xFFFFFFC0, v62  }
0xa1: {  	v3 =	vor.u32 v3, v4  }
0xa2: {  	v4 =	vperm.xlane v3, v0;
	_ =	sdelay $0x1  }
0xa3: {  	v4 =	vadd.s32 v1, v4;
	_ =	sdelay $0x4  }
0xa4: {  	[tilespmem:s4], [sflag:$0x1] =	stream.indirect_vreg.gather [hbm4b:s3+s2], $0x80, v4, vm0, $0xb8;
	[tilespmem:$0x10100] =	vst v63  }
0xa5: {  	v3 =	vperm.xlane v3, v2  }
0xa6: {  	[tilespmem:s13], [sflag:$0x1] =	stream.indirect_vreg.gather [hbm4b:s5+s2], $0x80, v4, vm0, $0xb8;
	[tilespmem:$0x10100] =	vst v63  }
0xa7: {  	v3 =	vadd.s32 v1, v3  }
0xa8: {  	[tilespmem:s14], [sflag:$0x1] =	stream.indirect_vreg.gather [hbm4b:s6+s2], $0x80, v4, vm0, $0xb8;
	[tilespmem:$0x10100] =	vst v63  }
0xa9: {  	_ = 	snop  }
0xaa: {  	[tilespmem:s15], [sflag:$0x1] =	stream.indirect_vreg.gather [hbm4b:s7+s2], $0x80, v4, vm0, $0xb8;
	[tilespmem:$0x10100] =	vst v63  }
0xab: {  	_ = 	snop  }
0xac: {  	[tilespmem:s16], [sflag:$0x1] =	stream.indirect_vreg.gather [hbm4b:s3+s2], $0x80, v3, vm0, $0xb8;
	[tilespmem:$0x10100] =	vst v63  }
0xad: {  	_ = 	snop  }
0xae: {  	[tilespmem:s17], [sflag:$0x1] =	stream.indirect_vreg.gather [hbm4b:s5+s2], $0x80, v3, vm0, $0xb8;
	[tilespmem:$0x10100] =	vst v63  }
0xaf: {  	_ = 	snop  }
0xb0: {  	[tilespmem:s18], [sflag:$0x1] =	stream.indirect_vreg.gather [hbm4b:s6+s2], $0x80, v3, vm0, $0xb8;
	[tilespmem:$0x10100] =	vst v63  }
0xb1: {  	_ = 	snop  }
0xb2: {  	[tilespmem:s10], [sflag:$0x1] =	stream.indirect_vreg.gather [hbm4b:s7+s2], $0x80, v3, vm0, $0xb8;
	[tilespmem:$0x10100] =	vst v63  }
0xb3: {  	v3 =	vld [tilespmem:$0xB0];
	_ =	sdelay $0x4  }
0xb4: {  	v63 =	vshll.u32 v3, $0x3  }
0xb5: {  	v3 =	vand.u32 $0x7, v3;
	v4 =	vand.u32 $0xFFFFFFC0, v63  }
0xb6: {  	v3 =	vor.u32 v3, v4  }
0xb7: {  	v4 =	vperm.xlane v3, v0;
	_ =	sdelay $0x1  }
0xb8: {  	v4 =	vadd.s32 v1, v4;
	_ =	sdelay $0x3  }
0xb9: {  	s19 =	simm.s32 $0xC100  }
0xba: {  	[tilespmem:s19], [sflag:$0x1] =	stream.indirect_vreg.gather [hbm4b:s3+s2], $0x80, v4, vm0, $0xb8;
	[tilespmem:$0x10100] =	vst v63  }
0xbb: {  	v3 =	vperm.xlane v3, v2;
	s19 =	simm.s32 $0xC900  }
0xbc: {  	[tilespmem:s19], [sflag:$0x1] =	stream.indirect_vreg.gather [hbm4b:s5+s2], $0x80, v4, vm0, $0xb8;
	[tilespmem:$0x10100] =	vst v63  }
0xbd: {  	v3 =	vadd.s32 v1, v3;
	s19 =	simm.s32 $0xD100  }
0xbe: {  	[tilespmem:s19], [sflag:$0x1] =	stream.indirect_vreg.gather [hbm4b:s6+s2], $0x80, v4, vm0, $0xb8;
	[tilespmem:$0x10100] =	vst v63  }
0xbf: {  	s19 =	simm.s32 $0xD900  }
0xc0: {  	[tilespmem:s19], [sflag:$0x1] =	stream.indirect_vreg.gather [hbm4b:s7+s2], $0x80, v4, vm0, $0xb8;
	[tilespmem:$0x10100] =	vst v63  }
0xc1: {  	s19 =	simm.s32 $0xE100  }
0xc2: {  	[tilespmem:s19], [sflag:$0x1] =	stream.indirect_vreg.gather [hbm4b:s3+s2], $0x80, v3, vm0, $0xb8;
	[tilespmem:$0x10100] =	vst v63  }
0xc3: {  	s19 =	simm.s32 $0xE900  }
0xc4: {  	[tilespmem:s19], [sflag:$0x1] =	stream.indirect_vreg.gather [hbm4b:s5+s2], $0x80, v3, vm0, $0xb8;
	[tilespmem:$0x10100] =	vst v63  }
0xc5: {  	s19 =	simm.s32 $0xF100  }
0xc6: {  	[tilespmem:s19], [sflag:$0x1] =	stream.indirect_vreg.gather [hbm4b:s6+s2], $0x80, v3, vm0, $0xb8;
	[tilespmem:$0x10100] =	vst v63  }
0xc7: {  	s19 =	simm.s32 $0xF900  }
0xc8: {  	[tilespmem:s19], [sflag:$0x1] =	stream.indirect_vreg.gather [hbm4b:s7+s2], $0x80, v3, vm0, $0xb8;
	[tilespmem:$0x10100] =	vst v63  }
0xc9: {  	_ =	swait.ge [sflag:s9], $0x10000  }
0xca: {  	p0 =	sne.s32 s8, $0x1;
	[sflag:s9] =	ssyncset.done $0x0  }
.Ltmp0:
0xcb: {  	s1 =	rddreg [dreg:$0x4];
	[sflag:s9] =	ssyncadd.s32 $0xFFFF0000;
	(pc) =	sbr.rel @p0 .LBB2_1-.Ltmp0, $4  }
0xcc: {  	[hbm4b:s1+s2] =	stream.linear.scatter [tilespmem:s0], [sflag:$0x1], $0x10000, $0x38;
	[tilespmem:$0x10100] =	vst v63  }
0xcd: {  	_ =	swait.ge [sflag:s9], $0x10000  }
0xce: {  	[sflag:s9] =	ssyncset.done $0x0  }
0xcf: {  	s8 =	sadd.s32 $0xFFFFFFFF, s8;
	[sflag:s9] =	ssyncadd.s32 $0xFFFF0000  }
0xd0: {  	_ =	sfence.sel $0x180000  }
0xd1: {  	[bflag:$0x0] =	sbarrier.arrive $0xFFFF  }
0xd2: {  	_ =	strace $0x9000004A  }
0xd3: {  	s0 =	stileid.u32;
	[bflag:$0x2] =	sbarrier.arrive $0xFFFF  }
0xd4: {  	p0 =	sne.s32 s0, $0x0;
	s0 =	rddreg [dreg:$0x2]  }
0xd5: {  	s0 =	sadd.s32 @!p0 $0x100000, s0  }
0xd6: {  	[sflag:s0] =	ssyncadd.tile.s32 @!p0 $0x1;
	_ =	shalt  }
.Lfunc_end2:
_tile_overlayer_lowered:
.L_overlay_start_2:
0xd7: {  	(tag) =	ssettag $0x2  }
0xd8: {  	s0 =	rddreg [dreg:$0x0];
	s2 =	stileid.u32  }
0xd9: {  	s1 =	rddreg [dreg:$0x1];
	p0 =	sne.s32 s2, $0x0  }
0xda: {  	s3 =	rddreg [dreg:$0x2];
	[bflag:$0x3] =	sbarrier.arrive $0xFFFF;
	s2 =	simm.s32 @!p0 $0x1C02  }
0xdb: {  	[timem:s3], [sflag:s2] =	dma.local @!p0 [hbm:s0], s1  }
0xdc: {  	s0 =	simm.s32 @!p0 $0x2  }
0xdd: {  	_ =	swait.ge @!p0 [sflag:s0], s1  }
0xde: {  	s1 =	ssub.s32 @!p0 $0x0, s1;
	[sflag:s0] =	ssyncset.done @!p0 $0x0  }
0xdf: {  	[sflag:s0] =	ssyncadd.s32 @!p0 s1  }
0xe0: {  	[bflag:$0x3] =	sbarrier.arrive $0xFFFF  }
0xe1: {  	_ =	shalt  }

</sc_bundles>
